<compile_context>
chip_gen: v7x
topology: tpu7x:2x2x1
jax: 0.10.2.dev20260603
libtpu: 0.0.44.dev20260713+nightly
codegen_flags: <defaults>
</compile_context>

<pallas_src>
import functools

import jax
import jax.numpy as jnp
from jax import lax
from jax.experimental import pallas as pl
from jax.experimental.pallas import tpu as pltpu
from jax.experimental.pallas import tpu_sc as plsc

RADIUS = 0.1
NSAMPLE = 16
EPS = 1e-5



def _k1_body(p_ref, ps_ref, ft_ref, w3_ref, wf_ref, g_ref, hq_ref):
    pb = p_ref[0]
    psb = ps_ref[0]
    ftb = ft_ref[0]
    gp = jnp.dot(pb, w3_ref[...], preferred_element_type=jnp.float32)
    g_ref[0] = gp + jnp.dot(ftb, wf_ref[...],
                            preferred_element_type=jnp.float32)
    hq_ref[0] = jnp.dot(psb, w3_ref[...], preferred_element_type=jnp.float32)


def _k1(p, ps, fT, w3, wf):
    B, N, C = fT.shape
    Q = 1024
    grid = (B, N // Q)
    return pl.pallas_call(
        _k1_body,
        grid=grid,
        in_specs=[
            pl.BlockSpec((1, Q, 3), lambda b, q: (b, q, 0)),
            pl.BlockSpec((1, Q, 3), lambda b, q: (b, q, 0)),
            pl.BlockSpec((1, Q, C), lambda b, q: (b, q, 0)),
            pl.BlockSpec((3, C), lambda b, q: (0, 0)),
            pl.BlockSpec((C, C), lambda b, q: (0, 0)),
        ],
        out_specs=[
            pl.BlockSpec((1, Q, C), lambda b, q: (b, q, 0)),
            pl.BlockSpec((1, Q, C), lambda b, q: (b, q, 0)),
        ],
        out_shape=[
            jax.ShapeDtypeStruct((B, N, C), jnp.float32),
            jax.ShapeDtypeStruct((B, N, C), jnp.float32),
        ],
    )(p, ps, fT, w3, wf)



def _k2(table, idx_flat):
    info = plsc.get_sparse_core_info()
    nw = info.num_cores * info.num_subcores
    R = idx_flat.shape[0]
    D = table.shape[1]
    per_w = R // nw
    CH = 256
    nch = per_w // CH
    nc = info.num_cores
    mesh = plsc.VectorSubcoreMesh(core_axis_name="c", subcore_axis_name="s")

    @functools.partial(
        pl.kernel, mesh=mesh,
        out_type=jax.ShapeDtypeStruct((R, D), jnp.float32),
        scratch_types=[
            pltpu.VMEM((CH,), jnp.int32),
            pltpu.VMEM((CH, D), jnp.float32),
            pltpu.SemaphoreType.DMA,
        ],
    )
    def k(table_hbm, idx_hbm, out_hbm, idx_v, rows_v, sem):
        wid = lax.axis_index("s") * nc + lax.axis_index("c")
        base0 = wid * per_w

        def body(c, carry):
            base = base0 + c * CH
            pltpu.sync_copy(idx_hbm.at[pl.ds(base, CH)], idx_v)
            pltpu.async_copy(table_hbm.at[idx_v], rows_v, sem).wait()
            pltpu.sync_copy(rows_v, out_hbm.at[pl.ds(base, CH)])
            return carry

        lax.fori_loop(0, nch, body, 0)

    return k(table, idx_flat)



def _k3_body(g_ref, hq_ref, ymax_ref, ysum_ref, ysq_ref):
    g = g_ref[0]
    hq = hq_ref[0]
    gmax = jnp.max(g, axis=1)
    gsum = jnp.sum(g, axis=1)
    gsq = jnp.sum(g * g, axis=1)
    ymax_ref[0] = gmax - hq
    k = jnp.float32(NSAMPLE)
    ysum_ref[0] = jnp.sum(gsum - k * hq, axis=0, keepdims=True)
    ysq_ref[0] = jnp.sum(gsq - 2.0 * hq * gsum + k * hq * hq,
                         axis=0, keepdims=True)


def _k3(gathered, Hq):
    B, N, K, C = gathered.shape
    Q = 512
    nq = N // Q
    grid = (B, nq)
    return pl.pallas_call(
        _k3_body,
        grid=grid,
        in_specs=[
            pl.BlockSpec((1, Q, K, C), lambda b, q: (b, q, 0, 0)),
            pl.BlockSpec((1, Q, C), lambda b, q: (b, q, 0)),
        ],
        out_specs=[
            pl.BlockSpec((1, Q, C), lambda b, q: (b, q, 0)),
            pl.BlockSpec((1, 1, C), lambda b, q, _nq=nq: (b * _nq + q, 0, 0)),
            pl.BlockSpec((1, 1, C), lambda b, q, _nq=nq: (b * _nq + q, 0, 0)),
        ],
        out_shape=[
            jax.ShapeDtypeStruct((B, N, C), jnp.float32),
            jax.ShapeDtypeStruct((B * nq, 1, C), jnp.float32),
            jax.ShapeDtypeStruct((B * nq, 1, C), jnp.float32),
        ],
    )(gathered, Hq)



def _k456_body(ymax_ref, ft_ref, ysum_ref, ysq_ref, w1t_ref, w2t_ref,
               g0_ref, b0_ref, g1_ref, b1_ref, g2_ref, b2_ref, out_ref,
               *, n0, n1):
    ymax = ymax_ref[...]
    ft = ft_ref[...]
    m0 = jnp.sum(ysum_ref[...], axis=0, keepdims=True) / n0
    v0 = jnp.sum(ysq_ref[...], axis=0, keepdims=True) / n0 - m0 * m0
    r0 = g0_ref[...] * lax.rsqrt(v0 + EPS)
    fa = jnp.maximum((ymax - m0) * r0 + b0_ref[...], 0.0)
    h1 = jnp.dot(fa, w1t_ref[...], preferred_element_type=jnp.float32)
    m1 = jnp.sum(h1, axis=0, keepdims=True) / n1
    v1 = jnp.sum(h1 * h1, axis=0, keepdims=True) / n1 - m1 * m1
    r1 = g1_ref[...] * lax.rsqrt(v1 + EPS)
    h1n = jnp.maximum((h1 - m1) * r1 + b1_ref[...], 0.0)
    h2 = jnp.dot(h1n, w2t_ref[...], preferred_element_type=jnp.float32)
    m2 = jnp.sum(h2, axis=0, keepdims=True) / n1
    v2 = jnp.sum(h2 * h2, axis=0, keepdims=True) / n1 - m2 * m2
    r2 = g2_ref[...] * lax.rsqrt(v2 + EPS)
    h2n = (h2 - m2) * r2 + b2_ref[...]
    out_ref[...] = jnp.maximum(h2n + ft, 0.0)


def _k456(ymax, ftf, ysum, ysq, w1t, w2t, g0, b0, g1, b1, g2, b2):
    M, C = ymax.shape
    n0 = float(M * NSAMPLE)
    n1 = float(M)
    row = lambda v: v.reshape(1, C)
    return pl.pallas_call(
        functools.partial(_k456_body, n0=n0, n1=n1),
        out_shape=jax.ShapeDtypeStruct((M, C), jnp.float32),
    )(ymax, ftf, ysum, ysq, w1t, w2t,
      row(g0), row(b0), row(g1), row(b1), row(g2), row(b2))



def _merge16(pos, blk):
    m = [jnp.minimum(pos[i], blk[15 - i]) for i in range(16)]
    for stride in (8, 4, 2, 1):
        nm = list(m)
        for i in range(16):
            if (i % (2 * stride)) < stride:
                lo = jnp.minimum(m[i], m[i + stride])
                hi = jnp.maximum(m[i], m[i + stride])
                nm[i] = lo
                nm[i + stride] = hi
        m = nm
    return m


def _k0s_body(lo_ref, hi_ref, pts_ref, ido_ref, idx_ref,
              *, Q, JB, N, nsample):
    b = pl.program_id(0)
    qt = pl.program_id(1)
    q = pts_ref[0, :, pl.ds(qt * Q, Q)]
    qx = q[0, :].reshape(Q, 1)
    qy = q[1, :].reshape(Q, 1)
    qz = q[2, :].reshape(Q, 1)
    r2 = jnp.float32(RADIUS * RADIUS)
    big = jnp.float32(N)

    def scan_block(start, pos):
        cols = pts_ref[0, :, pl.ds(start, JB)]
        oid = ido_ref[0, 0:1, pl.ds(start, JB)]
        cx = cols[0, :].reshape(1, JB)
        cy = cols[1, :].reshape(1, JB)
        cz = cols[2, :].reshape(1, JB)
        dx = qx - cx
        dy = qy - cy
        dz = qz - cz
        d2 = dx * dx + dy * dy + dz * dz
        ov = jnp.where(d2 <= r2, oid, big)
        prev = jnp.full((Q, 1), jnp.float32(-1.0))
        blk = []
        for _ in range(nsample):
            hit = jnp.where(ov > prev, ov, big)
            cand = jnp.min(hit, axis=1, keepdims=True)
            blk.append(cand)
            prev = cand
        return tuple(_merge16(list(pos), blk))

    init = tuple(jnp.full((Q, 1), big) for _ in range(nsample))
    t = b * (pl.num_programs(1)) + qt
    pos = lax.fori_loop(lo_ref[t], hi_ref[t],
                        lambda cb, pp: scan_block(cb * JB, pp), init)
    first = pos[0]
    base = b * N
    for s in range(nsample):
        sel = jnp.where(pos[s] < big, pos[s], first)
        idx_ref[0, :, s:s + 1] = sel.astype(jnp.int32) + base


def _k0s(pTs, ido, cb_lo, cb_hi, nsample):
    B, _, N = pTs.shape
    Q = _K0_Q
    JB = _K0_JB
    grid = (B, N // Q)
    return pl.pallas_call(
        functools.partial(_k0s_body, Q=Q, JB=JB, N=N, nsample=nsample),
        grid=grid,
        in_specs=[
            pl.BlockSpec(memory_space=pltpu.SMEM),
            pl.BlockSpec(memory_space=pltpu.SMEM),
            pl.BlockSpec((1, 3, N), lambda b, q: (b, 0, 0)),
            pl.BlockSpec((1, 1, N), lambda b, q: (b, 0, 0)),
        ],
        out_specs=pl.BlockSpec((1, Q, nsample), lambda b, q: (b, q, 0)),
        out_shape=jax.ShapeDtypeStruct((B, N, nsample), jnp.int32),
    )(cb_lo, cb_hi, pTs, ido)



_K0_Q = 1024
_K0_JB = 1024


def kernel(p, f, W0, g0, b0, W1, g1, b1, W2, g2, b2):
    B, C, N = f.shape
    fT = jnp.transpose(f, (0, 2, 1))
    w3 = jnp.transpose(W0[:, :3])
    wf = jnp.transpose(W0[:, 3:])

    boff = (jnp.arange(B, dtype=jnp.int32) * N)[:, None]
    perm = jnp.argsort(p[..., 0], axis=1).astype(jnp.int32)
    permg = (perm + boff).reshape(-1)
    row_ids = jnp.arange(N, dtype=jnp.int32)
    inv = jax.vmap(
        lambda pm: jnp.zeros((N,), jnp.int32).at[pm].set(row_ids))(perm)
    invg = (inv + boff).reshape(-1)

    p_pad = jnp.concatenate(
        [p, jnp.zeros((B, N, 125), jnp.float32)], axis=-1).reshape(B * N, 128)
    ps = _k2(p_pad, permg).reshape(B, N, 128)[..., :3]
    xs = ps[..., 0]

    ntiles = N // _K0_Q
    xt = xs.reshape(B, ntiles, _K0_Q)
    margin = jnp.float32(1e-5)
    lo_b = (xt[:, :, 0] - jnp.float32(RADIUS)) - margin
    hi_b = (xt[:, :, -1] + jnp.float32(RADIUS)) + margin
    cnt_lo = jnp.sum(xs[:, None, :] < lo_b[:, :, None], axis=-1)
    cnt_hi = jnp.sum(xs[:, None, :] <= hi_b[:, :, None], axis=-1)
    cb_lo = (cnt_lo // _K0_JB).astype(jnp.int32).reshape(-1)
    cb_hi = ((cnt_hi + _K0_JB - 1) // _K0_JB).astype(jnp.int32).reshape(-1)

    Gfull, Hq_s = _k1(p, ps, fT, w3, wf)

    idx = _k0s(jnp.transpose(ps, (0, 2, 1)),
               perm.astype(jnp.float32).reshape(B, 1, N),
               cb_lo, cb_hi, NSAMPLE)
    idx_flat = idx.reshape(B * N * NSAMPLE)

    gathered = _k2(Gfull.reshape(B * N, C),
                   idx_flat).reshape(B, N, NSAMPLE, C)

    ymax_s, ysum, ysq = _k3(gathered, Hq_s)
    fT_s = _k2(fT.reshape(B * N, C), permg)

    out_s = _k456(ymax_s.reshape(B * N, C), fT_s,
                  ysum.reshape(-1, C), ysq.reshape(-1, C),
                  jnp.transpose(W1), jnp.transpose(W2),
                  g0, b0, g1, b1, g2, b2)
    out_rows = _k2(out_s, invg)
    f_out = jnp.transpose(out_rows.reshape(B, N, C), (0, 2, 1))
    return (p, f_out)

# --- scband reference (transcript-rebuilt; emitter-appended) ---
"""Pipeline reference for scband-inv-res-mlp-11252814315650 (READ-ONLY COPY).

The authoritative reference and input builder live on the scoring server;
editing this copy changes nothing except your own understanding.
"""

import jax, jax.numpy as jnp
import numpy as np

RADIUS = 0.1
NSAMPLE = 16
EPS = 1e-5


def ball_query(p, radius, nsample, chunk=1024):
    # p: [B, N, 3] -> idx [B, N, nsample] int32
    B, N, _ = p.shape
    r2 = radius * radius
    order = jnp.arange(N, dtype=jnp.float32)[None, None, :]
    idx_chunks = []
    for s in range(0, N, chunk):
        q = p[:, s:s + chunk]  # [B, c, 3]
        d2 = jnp.sum((q[:, :, None, :] - p[:, None, :, :]) ** 2, axis=-1)  # [B, c, N]
        valid = d2 <= r2
        # first-nsample-within-ball semantics (pad with first found index)
        score = jnp.where(valid, order, float(N))
        neg_vals, idx = jax.lax.top_k(-score, nsample)
        found = (-neg_vals) < float(N)
        first = idx[:, :, :1]
        idx = jnp.where(found, idx, first)
        idx_chunks.append(idx)
    return jnp.concatenate(idx_chunks, axis=1)


def batched_gather(x, idx):
    # x: [B, N, D], idx: [B, N, K] -> [B, N, K, D]
    return jax.vmap(lambda a, i: a[i])(x, idx)


def bn(x, gamma, beta, axes):
    m = jnp.mean(x, axis=axes, keepdims=True)
    v = jnp.var(x, axis=axes, keepdims=True)
    return (x - m) / jnp.sqrt(v + EPS) * gamma + beta


def setup_inputs(seed: int = 0) -> dict:
    key = jax.random.key(seed)
    ks = jax.random.split(key, 8)
    B, N, C = 2, 8192, 128
    p = jax.random.uniform(ks[0], (B, N, 3), dtype=jnp.float32)
    f = jax.random.normal(ks[1], (B, C, N), dtype=jnp.float32)
    # LocalAggregation convblock2d: Conv2d(3+C -> C, k=1, bias=False) + BN + ReLU
    W0 = jax.random.normal(ks[2], (C, C + 3), dtype=jnp.float32) * 0.05
    g0 = jnp.ones((C,), jnp.float32)
    b0 = jnp.zeros((C,), jnp.float32)
    # pwconv block 1: Conv1d(C -> C) + BN + ReLU (expansion=1 -> mid=C)
    W1 = jax.random.normal(ks[3], (C, C), dtype=jnp.float32) * 0.05
    g1 = jnp.ones((C,), jnp.float32)
    b1 = jnp.zeros((C,), jnp.float32)
    # pwconv block 2: Conv1d(C -> C) + BN (no act)
    W2 = jax.random.normal(ks[4], (C, C), dtype=jnp.float32) * 0.05
    g2 = jnp.ones((C,), jnp.float32)
    b2 = jnp.zeros((C,), jnp.float32)
    return {"p": p, "f": f, "W0": W0, "g0": g0, "b0": b0,
            "W1": W1, "g1": g1, "b1": b1, "W2": W2, "g2": g2, "b2": b2}


def reference(p, f, W0, g0, b0, W1, g1, b1, W2, g2, b2):
    B, C, N = f.shape
    identity_bnc = jnp.transpose(f, (0, 2, 1))  # [B, N, C]
    # --- LocalAggregation: ball query grouping ---
    idx = ball_query(p, RADIUS, NSAMPLE)          # [B, N, K]
    grouped_p = batched_gather(p, idx)            # [B, N, K, 3]
    dp = grouped_p - p[:, :, None, :]             # relative positions
    fj = batched_gather(identity_bnc, idx)        # [B, N, K, C]
    feat = jnp.concatenate([dp, fj], axis=-1)     # dp_fj: [B, N, K, 3+C]
    # convblock2d (1x1 conv + BN + ReLU)
    y = jnp.einsum('bnkd,cd->bnkc', feat, W0)
    y = bn(y, g0, b0, axes=(0, 1, 2))
    y = jax.nn.relu(y)
    # reduction='max' over neighbors
    fa = jnp.max(y, axis=2)                       # [B, N, C]
    # --- pwconv: Conv1d + BN + ReLU, Conv1d + BN ---
    h = jnp.einsum('bnc,dc->bnd', fa, W1)
    h = bn(h, g1, b1, axes=(0, 1))
    h = jax.nn.relu(h)
    h = jnp.einsum('bnc,dc->bnd', h, W2)
    h = bn(h, g2, b2, axes=(0, 1))
    # residual (same shape) + act
    h = h + identity_bnc
    h = jax.nn.relu(h)
    f_out = jnp.transpose(h, (0, 2, 1))           # [B, C, N]
    return (p, f_out)

if __name__ == "__main__":
    import jax
    _d = setup_inputs()
    print(jax.jit(kernel)(*tuple(_d.values())))

</pallas_src>

<mosaic_0001>
#map = affine_map<(d0, d1) -> (0, 0)>
#map1 = affine_map<(d0, d1) -> (0)>
module attributes {stable_mosaic.version = 14 : i64} {
  func.func @k(%arg0: i32, %arg1: i32, %arg2: memref<16384x128xf32, #tpu.memory_space<hbm>>, %arg3: memref<16384xi32, #tpu.memory_space<hbm>>, %arg4: memref<16384x128xf32, #tpu.memory_space<hbm>>, %arg5: memref<256xi32, #tpu.memory_space<vmem>>, %arg6: memref<256x128xf32, #tpu.memory_space<vmem>>, %arg7: memref<!tpu.dma_semaphore, #tpu.memory_space<semaphore_mem>>) attributes {dimension_semantics = [#tpu.dimension_semantics<core_parallel>, #tpu.dimension_semantics<subcore_parallel>], iteration_bounds = array<i64: 2, 16>, scalar_prefetch = 0 : i64, scratch_operands = 3 : i64, tpu.core_type = #tpu.core_type<sc_vector_subcore>, window_params = [{transform_indices = #map}, {transform_indices = #map1}, {transform_indices = #map}]} {
    %mul3A = arith.constant 2 : i32
    %mul3A_0 = arith.muli %arg1, %mul3A : i32
    %add3A = arith.addi %mul3A_0, %arg0 : i32
    %mul3A_1 = arith.constant 512 : i32
    %mul3A_2 = arith.muli %add3A, %mul3A_1 : i32
    %scan3A = arith.constant 0 : i32
    %scan3A_3 = arith.constant 0 : i32
    %scan3A_4 = arith.constant 2 : i32
    %scan3A_5 = arith.addi %scan3A_3, %scan3A_4 : i32
    %scan3A_6 = arith.constant 1 : i32
    scf.for %scan3A_8 = %scan3A_3 to %scan3A_5 step %scan3A_6  : i32 {
      %mul3A_9 = arith.constant 256 : i32
      %mul3A_10 = arith.muli %scan3A_8, %mul3A_9 : i32
      %add3A_11 = arith.addi %mul3A_2, %mul3A_10 : i32
      "tpu.region"() ({
        %run_scoped3A = tpu.sem_alloc : memref<!tpu.dma_semaphore, #tpu.memory_space<semaphore_mem>>
        %dma_start3A_16 = tpu.memref_slice %arg3[%add3A_11] : memref<16384xi32, #tpu.memory_space<hbm>> -> memref<256xi32, #tpu.memory_space<hbm>>
        %dma_start3A_17 = tpu.memref_slice %arg3[%add3A_11] : memref<16384xi32, #tpu.memory_space<hbm>> -> memref<256xi32, #tpu.memory_space<hbm>>
        tpu.enqueue_dma source(%dma_start3A_17 : memref<256xi32, #tpu.memory_space<hbm>>) target(%arg5 : memref<256xi32, #tpu.memory_space<vmem>>) target_semaphore(%run_scoped3A : memref<!tpu.dma_semaphore, #tpu.memory_space<semaphore_mem>>)
        %dma_wait3A_18 = tpu.memref_slice %arg3[%add3A_11] : memref<16384xi32, #tpu.memory_space<hbm>> -> memref<256xi32, #tpu.memory_space<hbm>>
        %dma_wait3A_19 = tpu.memref_slice %arg3[%add3A_11] : memref<16384xi32, #tpu.memory_space<hbm>> -> memref<256xi32, #tpu.memory_space<hbm>>
        tpu.wait_dma2 semaphore(%run_scoped3A : memref<!tpu.dma_semaphore, #tpu.memory_space<semaphore_mem>>) src(%dma_wait3A_19 : memref<256xi32, #tpu.memory_space<hbm>>) dst(%arg5 : memref<256xi32, #tpu.memory_space<vmem>>)
        tpu.yield
      }) : () -> ()
      %dma_start3A = arith.constant 0 : i32
      %dma_start3A_12 = arith.constant 0 : i32
      %dma_start3A_13 = tpu.memref_slice %arg2[%dma_start3A, %dma_start3A_12] : memref<16384x128xf32, #tpu.memory_space<hbm>> -> memref<16384x128xf32, #tpu.memory_space<hbm>>
      tpu.enqueue_indirect_dma source(%dma_start3A_13 : memref<16384x128xf32, #tpu.memory_space<hbm>>) target(%arg6 : memref<256x128xf32, #tpu.memory_space<vmem>>) offsets(%arg5 : memref<256xi32, #tpu.memory_space<vmem>>) semaphore(%arg7 : memref<!tpu.dma_semaphore, #tpu.memory_space<semaphore_mem>>)
      %dma_wait3A = arith.constant 0 : i32
      %dma_wait3A_14 = arith.constant 0 : i32
      %dma_wait3A_15 = tpu.memref_slice %arg2[%dma_wait3A, %dma_wait3A_14] : memref<16384x128xf32, #tpu.memory_space<hbm>> -> memref<16384x128xf32, #tpu.memory_space<hbm>>
      tpu.wait_indirect_dma semaphore(%arg7 : memref<!tpu.dma_semaphore, #tpu.memory_space<semaphore_mem>>) src(%dma_wait3A_15 : memref<16384x128xf32, #tpu.memory_space<hbm>>) dst(%arg6 : memref<256x128xf32, #tpu.memory_space<vmem>>)
      "tpu.region"() ({
        %run_scoped3A = tpu.sem_alloc : memref<!tpu.dma_semaphore, #tpu.memory_space<semaphore_mem>>
        %dma_start3A_16 = arith.constant 0 : i32
        %dma_start3A_17 = tpu.memref_slice %arg4[%add3A_11, %dma_start3A_16] : memref<16384x128xf32, #tpu.memory_space<hbm>> -> memref<256x128xf32, #tpu.memory_space<hbm>>
        %dma_start3A_18 = arith.constant 0 : i32
        %dma_start3A_19 = tpu.memref_slice %arg4[%add3A_11, %dma_start3A_18] : memref<16384x128xf32, #tpu.memory_space<hbm>> -> memref<256x128xf32, #tpu.memory_space<hbm>>
        tpu.enqueue_dma source(%arg6 : memref<256x128xf32, #tpu.memory_space<vmem>>) target(%dma_start3A_19 : memref<256x128xf32, #tpu.memory_space<hbm>>) target_semaphore(%run_scoped3A : memref<!tpu.dma_semaphore, #tpu.memory_space<semaphore_mem>>)
        %dma_wait3A_20 = arith.constant 0 : i32
        %dma_wait3A_21 = tpu.memref_slice %arg4[%add3A_11, %dma_wait3A_20] : memref<16384x128xf32, #tpu.memory_space<hbm>> -> memref<256x128xf32, #tpu.memory_space<hbm>>
        %dma_wait3A_22 = arith.constant 0 : i32
        %dma_wait3A_23 = tpu.memref_slice %arg4[%add3A_11, %dma_wait3A_22] : memref<16384x128xf32, #tpu.memory_space<hbm>> -> memref<256x128xf32, #tpu.memory_space<hbm>>
        tpu.wait_dma2 semaphore(%run_scoped3A : memref<!tpu.dma_semaphore, #tpu.memory_space<semaphore_mem>>) src(%arg6 : memref<256x128xf32, #tpu.memory_space<vmem>>) dst(%dma_wait3A_23 : memref<256x128xf32, #tpu.memory_space<hbm>>)
        tpu.yield
      }) : () -> ()
    }
    %scan3A_7 = arith.constant 2 : i32
    return
  }
}

#map = affine_map<(d0, d1) -> (0, 0)>
#map1 = affine_map<(d0, d1) -> (0)>
module attributes {stable_mosaic.version = 14 : i64} {
  func.func @k(%arg0: i32, %arg1: i32, %arg2: memref<16384x128xf32, #tpu.memory_space<hbm>>, %arg3: memref<262144xi32, #tpu.memory_space<hbm>>, %arg4: memref<262144x128xf32, #tpu.memory_space<hbm>>, %arg5: memref<256xi32, #tpu.memory_space<vmem>>, %arg6: memref<256x128xf32, #tpu.memory_space<vmem>>, %arg7: memref<!tpu.dma_semaphore, #tpu.memory_space<semaphore_mem>>) attributes {dimension_semantics = [#tpu.dimension_semantics<core_parallel>, #tpu.dimension_semantics<subcore_parallel>], iteration_bounds = array<i64: 2, 16>, scalar_prefetch = 0 : i64, scratch_operands = 3 : i64, tpu.core_type = #tpu.core_type<sc_vector_subcore>, window_params = [{transform_indices = #map}, {transform_indices = #map1}, {transform_indices = #map}]} {
    %mul3A = arith.constant 2 : i32
    %mul3A_0 = arith.muli %arg1, %mul3A : i32
    %add3A = arith.addi %mul3A_0, %arg0 : i32
    %mul3A_1 = arith.constant 8192 : i32
    %mul3A_2 = arith.muli %add3A, %mul3A_1 : i32
    %scan3A = arith.constant 0 : i32
    %scan3A_3 = arith.constant 0 : i32
    %scan3A_4 = arith.constant 32 : i32
    %scan3A_5 = arith.addi %scan3A_3, %scan3A_4 : i32
    %scan3A_6 = arith.constant 1 : i32
    scf.for %scan3A_8 = %scan3A_3 to %scan3A_5 step %scan3A_6  : i32 {
      %mul3A_9 = arith.constant 256 : i32
      %mul3A_10 = arith.muli %scan3A_8, %mul3A_9 : i32
      %add3A_11 = arith.addi %mul3A_2, %mul3A_10 : i32
      "tpu.region"() ({
        %run_scoped3A = tpu.sem_alloc : memref<!tpu.dma_semaphore, #tpu.memory_space<semaphore_mem>>
        %dma_start3A_16 = tpu.memref_slice %arg3[%add3A_11] : memref<262144xi32, #tpu.memory_space<hbm>> -> memref<256xi32, #tpu.memory_space<hbm>>
        %dma_start3A_17 = tpu.memref_slice %arg3[%add3A_11] : memref<262144xi32, #tpu.memory_space<hbm>> -> memref<256xi32, #tpu.memory_space<hbm>>
        tpu.enqueue_dma source(%dma_start3A_17 : memref<256xi32, #tpu.memory_space<hbm>>) target(%arg5 : memref<256xi32, #tpu.memory_space<vmem>>) target_semaphore(%run_scoped3A : memref<!tpu.dma_semaphore, #tpu.memory_space<semaphore_mem>>)
        %dma_wait3A_18 = tpu.memref_slice %arg3[%add3A_11] : memref<262144xi32, #tpu.memory_space<hbm>> -> memref<256xi32, #tpu.memory_space<hbm>>
        %dma_wait3A_19 = tpu.memref_slice %arg3[%add3A_11] : memref<262144xi32, #tpu.memory_space<hbm>> -> memref<256xi32, #tpu.memory_space<hbm>>
        tpu.wait_dma2 semaphore(%run_scoped3A : memref<!tpu.dma_semaphore, #tpu.memory_space<semaphore_mem>>) src(%dma_wait3A_19 : memref<256xi32, #tpu.memory_space<hbm>>) dst(%arg5 : memref<256xi32, #tpu.memory_space<vmem>>)
        tpu.yield
      }) : () -> ()
      %dma_start3A = arith.constant 0 : i32
      %dma_start3A_12 = arith.constant 0 : i32
      %dma_start3A_13 = tpu.memref_slice %arg2[%dma_start3A, %dma_start3A_12] : memref<16384x128xf32, #tpu.memory_space<hbm>> -> memref<16384x128xf32, #tpu.memory_space<hbm>>
      tpu.enqueue_indirect_dma source(%dma_start3A_13 : memref<16384x128xf32, #tpu.memory_space<hbm>>) target(%arg6 : memref<256x128xf32, #tpu.memory_space<vmem>>) offsets(%arg5 : memref<256xi32, #tpu.memory_space<vmem>>) semaphore(%arg7 : memref<!tpu.dma_semaphore, #tpu.memory_space<semaphore_mem>>)
      %dma_wait3A = arith.constant 0 : i32
      %dma_wait3A_14 = arith.constant 0 : i32
      %dma_wait3A_15 = tpu.memref_slice %arg2[%dma_wait3A, %dma_wait3A_14] : memref<16384x128xf32, #tpu.memory_space<hbm>> -> memref<16384x128xf32, #tpu.memory_space<hbm>>
      tpu.wait_indirect_dma semaphore(%arg7 : memref<!tpu.dma_semaphore, #tpu.memory_space<semaphore_mem>>) src(%dma_wait3A_15 : memref<16384x128xf32, #tpu.memory_space<hbm>>) dst(%arg6 : memref<256x128xf32, #tpu.memory_space<vmem>>)
      "tpu.region"() ({
        %run_scoped3A = tpu.sem_alloc : memref<!tpu.dma_semaphore, #tpu.memory_space<semaphore_mem>>
        %dma_start3A_16 = arith.constant 0 : i32
        %dma_start3A_17 = tpu.memref_slice %arg4[%add3A_11, %dma_start3A_16] : memref<262144x128xf32, #tpu.memory_space<hbm>> -> memref<256x128xf32, #tpu.memory_space<hbm>>
        %dma_start3A_18 = arith.constant 0 : i32
        %dma_start3A_19 = tpu.memref_slice %arg4[%add3A_11, %dma_start3A_18] : memref<262144x128xf32, #tpu.memory_space<hbm>> -> memref<256x128xf32, #tpu.memory_space<hbm>>
        tpu.enqueue_dma source(%arg6 : memref<256x128xf32, #tpu.memory_space<vmem>>) target(%dma_start3A_19 : memref<256x128xf32, #tpu.memory_space<hbm>>) target_semaphore(%run_scoped3A : memref<!tpu.dma_semaphore, #tpu.memory_space<semaphore_mem>>)
        %dma_wait3A_20 = arith.constant 0 : i32
        %dma_wait3A_21 = tpu.memref_slice %arg4[%add3A_11, %dma_wait3A_20] : memref<262144x128xf32, #tpu.memory_space<hbm>> -> memref<256x128xf32, #tpu.memory_space<hbm>>
        %dma_wait3A_22 = arith.constant 0 : i32
        %dma_wait3A_23 = tpu.memref_slice %arg4[%add3A_11, %dma_wait3A_22] : memref<262144x128xf32, #tpu.memory_space<hbm>> -> memref<256x128xf32, #tpu.memory_space<hbm>>
        tpu.wait_dma2 semaphore(%run_scoped3A : memref<!tpu.dma_semaphore, #tpu.memory_space<semaphore_mem>>) src(%arg6 : memref<256x128xf32, #tpu.memory_space<vmem>>) dst(%dma_wait3A_23 : memref<256x128xf32, #tpu.memory_space<hbm>>)
        tpu.yield
      }) : () -> ()
    }
    %scan3A_7 = arith.constant 32 : i32
    return
  }
}

#map = affine_map<(d0, d1) -> (0, 0)>
#map1 = affine_map<(d0, d1) -> (0)>
module attributes {stable_mosaic.version = 14 : i64} {
  func.func @k(%arg0: i32, %arg1: i32, %arg2: memref<16384x128xf32, #tpu.memory_space<hbm>>, %arg3: memref<16384xi32, #tpu.memory_space<hbm>>, %arg4: memref<16384x128xf32, #tpu.memory_space<hbm>>, %arg5: memref<256xi32, #tpu.memory_space<vmem>>, %arg6: memref<256x128xf32, #tpu.memory_space<vmem>>, %arg7: memref<!tpu.dma_semaphore, #tpu.memory_space<semaphore_mem>>) attributes {dimension_semantics = [#tpu.dimension_semantics<core_parallel>, #tpu.dimension_semantics<subcore_parallel>], iteration_bounds = array<i64: 2, 16>, scalar_prefetch = 0 : i64, scratch_operands = 3 : i64, tpu.core_type = #tpu.core_type<sc_vector_subcore>, window_params = [{transform_indices = #map}, {transform_indices = #map1}, {transform_indices = #map}]} {
    %mul3A = arith.constant 2 : i32
    %mul3A_0 = arith.muli %arg1, %mul3A : i32
    %add3A = arith.addi %mul3A_0, %arg0 : i32
    %mul3A_1 = arith.constant 512 : i32
    %mul3A_2 = arith.muli %add3A, %mul3A_1 : i32
    %scan3A = arith.constant 0 : i32
    %scan3A_3 = arith.constant 0 : i32
    %scan3A_4 = arith.constant 2 : i32
    %scan3A_5 = arith.addi %scan3A_3, %scan3A_4 : i32
    %scan3A_6 = arith.constant 1 : i32
    scf.for %scan3A_8 = %scan3A_3 to %scan3A_5 step %scan3A_6  : i32 {
      %mul3A_9 = arith.constant 256 : i32
      %mul3A_10 = arith.muli %scan3A_8, %mul3A_9 : i32
      %add3A_11 = arith.addi %mul3A_2, %mul3A_10 : i32
      "tpu.region"() ({
        %run_scoped3A = tpu.sem_alloc : memref<!tpu.dma_semaphore, #tpu.memory_space<semaphore_mem>>
        %dma_start3A_16 = tpu.memref_slice %arg3[%add3A_11] : memref<16384xi32, #tpu.memory_space<hbm>> -> memref<256xi32, #tpu.memory_space<hbm>>
        %dma_start3A_17 = tpu.memref_slice %arg3[%add3A_11] : memref<16384xi32, #tpu.memory_space<hbm>> -> memref<256xi32, #tpu.memory_space<hbm>>
        tpu.enqueue_dma source(%dma_start3A_17 : memref<256xi32, #tpu.memory_space<hbm>>) target(%arg5 : memref<256xi32, #tpu.memory_space<vmem>>) target_semaphore(%run_scoped3A : memref<!tpu.dma_semaphore, #tpu.memory_space<semaphore_mem>>)
        %dma_wait3A_18 = tpu.memref_slice %arg3[%add3A_11] : memref<16384xi32, #tpu.memory_space<hbm>> -> memref<256xi32, #tpu.memory_space<hbm>>
        %dma_wait3A_19 = tpu.memref_slice %arg3[%add3A_11] : memref<16384xi32, #tpu.memory_space<hbm>> -> memref<256xi32, #tpu.memory_space<hbm>>
        tpu.wait_dma2 semaphore(%run_scoped3A : memref<!tpu.dma_semaphore, #tpu.memory_space<semaphore_mem>>) src(%dma_wait3A_19 : memref<256xi32, #tpu.memory_space<hbm>>) dst(%arg5 : memref<256xi32, #tpu.memory_space<vmem>>)
        tpu.yield
      }) : () -> ()
      %dma_start3A = arith.constant 0 : i32
      %dma_start3A_12 = arith.constant 0 : i32
      %dma_start3A_13 = tpu.memref_slice %arg2[%dma_start3A, %dma_start3A_12] : memref<16384x128xf32, #tpu.memory_space<hbm>> -> memref<16384x128xf32, #tpu.memory_space<hbm>>
      tpu.enqueue_indirect_dma source(%dma_start3A_13 : memref<16384x128xf32, #tpu.memory_space<hbm>>) target(%arg6 : memref<256x128xf32, #tpu.memory_space<vmem>>) offsets(%arg5 : memref<256xi32, #tpu.memory_space<vmem>>) semaphore(%arg7 : memref<!tpu.dma_semaphore, #tpu.memory_space<semaphore_mem>>)
      %dma_wait3A = arith.constant 0 : i32
      %dma_wait3A_14 = arith.constant 0 : i32
      %dma_wait3A_15 = tpu.memref_slice %arg2[%dma_wait3A, %dma_wait3A_14] : memref<16384x128xf32, #tpu.memory_space<hbm>> -> memref<16384x128xf32, #tpu.memory_space<hbm>>
      tpu.wait_indirect_dma semaphore(%arg7 : memref<!tpu.dma_semaphore, #tpu.memory_space<semaphore_mem>>) src(%dma_wait3A_15 : memref<16384x128xf32, #tpu.memory_space<hbm>>) dst(%arg6 : memref<256x128xf32, #tpu.memory_space<vmem>>)
      "tpu.region"() ({
        %run_scoped3A = tpu.sem_alloc : memref<!tpu.dma_semaphore, #tpu.memory_space<semaphore_mem>>
        %dma_start3A_16 = arith.constant 0 : i32
        %dma_start3A_17 = tpu.memref_slice %arg4[%add3A_11, %dma_start3A_16] : memref<16384x128xf32, #tpu.memory_space<hbm>> -> memref<256x128xf32, #tpu.memory_space<hbm>>
        %dma_start3A_18 = arith.constant 0 : i32
        %dma_start3A_19 = tpu.memref_slice %arg4[%add3A_11, %dma_start3A_18] : memref<16384x128xf32, #tpu.memory_space<hbm>> -> memref<256x128xf32, #tpu.memory_space<hbm>>
        tpu.enqueue_dma source(%arg6 : memref<256x128xf32, #tpu.memory_space<vmem>>) target(%dma_start3A_19 : memref<256x128xf32, #tpu.memory_space<hbm>>) target_semaphore(%run_scoped3A : memref<!tpu.dma_semaphore, #tpu.memory_space<semaphore_mem>>)
        %dma_wait3A_20 = arith.constant 0 : i32
        %dma_wait3A_21 = tpu.memref_slice %arg4[%add3A_11, %dma_wait3A_20] : memref<16384x128xf32, #tpu.memory_space<hbm>> -> memref<256x128xf32, #tpu.memory_space<hbm>>
        %dma_wait3A_22 = arith.constant 0 : i32
        %dma_wait3A_23 = tpu.memref_slice %arg4[%add3A_11, %dma_wait3A_22] : memref<16384x128xf32, #tpu.memory_space<hbm>> -> memref<256x128xf32, #tpu.memory_space<hbm>>
        tpu.wait_dma2 semaphore(%run_scoped3A : memref<!tpu.dma_semaphore, #tpu.memory_space<semaphore_mem>>) src(%arg6 : memref<256x128xf32, #tpu.memory_space<vmem>>) dst(%dma_wait3A_23 : memref<256x128xf32, #tpu.memory_space<hbm>>)
        tpu.yield
      }) : () -> ()
    }
    %scan3A_7 = arith.constant 2 : i32
    return
  }
}

#map = affine_map<(d0, d1) -> (0, 0)>
#map1 = affine_map<(d0, d1) -> (0)>
module attributes {stable_mosaic.version = 14 : i64} {
  func.func @k(%arg0: i32, %arg1: i32, %arg2: memref<16384x128xf32, #tpu.memory_space<hbm>>, %arg3: memref<16384xi32, #tpu.memory_space<hbm>>, %arg4: memref<16384x128xf32, #tpu.memory_space<hbm>>, %arg5: memref<256xi32, #tpu.memory_space<vmem>>, %arg6: memref<256x128xf32, #tpu.memory_space<vmem>>, %arg7: memref<!tpu.dma_semaphore, #tpu.memory_space<semaphore_mem>>) attributes {dimension_semantics = [#tpu.dimension_semantics<core_parallel>, #tpu.dimension_semantics<subcore_parallel>], iteration_bounds = array<i64: 2, 16>, scalar_prefetch = 0 : i64, scratch_operands = 3 : i64, tpu.core_type = #tpu.core_type<sc_vector_subcore>, window_params = [{transform_indices = #map}, {transform_indices = #map1}, {transform_indices = #map}]} {
    %mul3A = arith.constant 2 : i32
    %mul3A_0 = arith.muli %arg1, %mul3A : i32
    %add3A = arith.addi %mul3A_0, %arg0 : i32
    %mul3A_1 = arith.constant 512 : i32
    %mul3A_2 = arith.muli %add3A, %mul3A_1 : i32
    %scan3A = arith.constant 0 : i32
    %scan3A_3 = arith.constant 0 : i32
    %scan3A_4 = arith.constant 2 : i32
    %scan3A_5 = arith.addi %scan3A_3, %scan3A_4 : i32
    %scan3A_6 = arith.constant 1 : i32
    scf.for %scan3A_8 = %scan3A_3 to %scan3A_5 step %scan3A_6  : i32 {
      %mul3A_9 = arith.constant 256 : i32
      %mul3A_10 = arith.muli %scan3A_8, %mul3A_9 : i32
      %add3A_11 = arith.addi %mul3A_2, %mul3A_10 : i32
      "tpu.region"() ({
        %run_scoped3A = tpu.sem_alloc : memref<!tpu.dma_semaphore, #tpu.memory_space<semaphore_mem>>
        %dma_start3A_16 = tpu.memref_slice %arg3[%add3A_11] : memref<16384xi32, #tpu.memory_space<hbm>> -> memref<256xi32, #tpu.memory_space<hbm>>
        %dma_start3A_17 = tpu.memref_slice %arg3[%add3A_11] : memref<16384xi32, #tpu.memory_space<hbm>> -> memref<256xi32, #tpu.memory_space<hbm>>
        tpu.enqueue_dma source(%dma_start3A_17 : memref<256xi32, #tpu.memory_space<hbm>>) target(%arg5 : memref<256xi32, #tpu.memory_space<vmem>>) target_semaphore(%run_scoped3A : memref<!tpu.dma_semaphore, #tpu.memory_space<semaphore_mem>>)
        %dma_wait3A_18 = tpu.memref_slice %arg3[%add3A_11] : memref<16384xi32, #tpu.memory_space<hbm>> -> memref<256xi32, #tpu.memory_space<hbm>>
        %dma_wait3A_19 = tpu.memref_slice %arg3[%add3A_11] : memref<16384xi32, #tpu.memory_space<hbm>> -> memref<256xi32, #tpu.memory_space<hbm>>
        tpu.wait_dma2 semaphore(%run_scoped3A : memref<!tpu.dma_semaphore, #tpu.memory_space<semaphore_mem>>) src(%dma_wait3A_19 : memref<256xi32, #tpu.memory_space<hbm>>) dst(%arg5 : memref<256xi32, #tpu.memory_space<vmem>>)
        tpu.yield
      }) : () -> ()
      %dma_start3A = arith.constant 0 : i32
      %dma_start3A_12 = arith.constant 0 : i32
      %dma_start3A_13 = tpu.memref_slice %arg2[%dma_start3A, %dma_start3A_12] : memref<16384x128xf32, #tpu.memory_space<hbm>> -> memref<16384x128xf32, #tpu.memory_space<hbm>>
      tpu.enqueue_indirect_dma source(%dma_start3A_13 : memref<16384x128xf32, #tpu.memory_space<hbm>>) target(%arg6 : memref<256x128xf32, #tpu.memory_space<vmem>>) offsets(%arg5 : memref<256xi32, #tpu.memory_space<vmem>>) semaphore(%arg7 : memref<!tpu.dma_semaphore, #tpu.memory_space<semaphore_mem>>)
      %dma_wait3A = arith.constant 0 : i32
      %dma_wait3A_14 = arith.constant 0 : i32
      %dma_wait3A_15 = tpu.memref_slice %arg2[%dma_wait3A, %dma_wait3A_14] : memref<16384x128xf32, #tpu.memory_space<hbm>> -> memref<16384x128xf32, #tpu.memory_space<hbm>>
      tpu.wait_indirect_dma semaphore(%arg7 : memref<!tpu.dma_semaphore, #tpu.memory_space<semaphore_mem>>) src(%dma_wait3A_15 : memref<16384x128xf32, #tpu.memory_space<hbm>>) dst(%arg6 : memref<256x128xf32, #tpu.memory_space<vmem>>)
      "tpu.region"() ({
        %run_scoped3A = tpu.sem_alloc : memref<!tpu.dma_semaphore, #tpu.memory_space<semaphore_mem>>
        %dma_start3A_16 = arith.constant 0 : i32
        %dma_start3A_17 = tpu.memref_slice %arg4[%add3A_11, %dma_start3A_16] : memref<16384x128xf32, #tpu.memory_space<hbm>> -> memref<256x128xf32, #tpu.memory_space<hbm>>
        %dma_start3A_18 = arith.constant 0 : i32
        %dma_start3A_19 = tpu.memref_slice %arg4[%add3A_11, %dma_start3A_18] : memref<16384x128xf32, #tpu.memory_space<hbm>> -> memref<256x128xf32, #tpu.memory_space<hbm>>
        tpu.enqueue_dma source(%arg6 : memref<256x128xf32, #tpu.memory_space<vmem>>) target(%dma_start3A_19 : memref<256x128xf32, #tpu.memory_space<hbm>>) target_semaphore(%run_scoped3A : memref<!tpu.dma_semaphore, #tpu.memory_space<semaphore_mem>>)
        %dma_wait3A_20 = arith.constant 0 : i32
        %dma_wait3A_21 = tpu.memref_slice %arg4[%add3A_11, %dma_wait3A_20] : memref<16384x128xf32, #tpu.memory_space<hbm>> -> memref<256x128xf32, #tpu.memory_space<hbm>>
        %dma_wait3A_22 = arith.constant 0 : i32
        %dma_wait3A_23 = tpu.memref_slice %arg4[%add3A_11, %dma_wait3A_22] : memref<16384x128xf32, #tpu.memory_space<hbm>> -> memref<256x128xf32, #tpu.memory_space<hbm>>
        tpu.wait_dma2 semaphore(%run_scoped3A : memref<!tpu.dma_semaphore, #tpu.memory_space<semaphore_mem>>) src(%arg6 : memref<256x128xf32, #tpu.memory_space<vmem>>) dst(%dma_wait3A_23 : memref<256x128xf32, #tpu.memory_space<hbm>>)
        tpu.yield
      }) : () -> ()
    }
    %scan3A_7 = arith.constant 2 : i32
    return
  }
}

module attributes {stable_mosaic.version = 14 : i64} {
  func.func @_k0s_body(%arg0: i32, %arg1: i32, %arg2: memref<16xi32, #tpu.memory_space<smem>>, %arg3: memref<16xi32, #tpu.memory_space<smem>>, %arg4: memref<1x3x8192xf32, #tpu.memory_space<vmem>>, %arg5: memref<1x1x8192xf32, #tpu.memory_space<vmem>>, %arg6: memref<1x1024x16xi32, #tpu.memory_space<vmem>>) attributes {dimension_semantics = [#tpu.dimension_semantics<arbitrary>, #tpu.dimension_semantics<arbitrary>], iteration_bounds = array<i64: 2, 8>, scalar_prefetch = 0 : i64, scratch_operands = 0 : i64, tpu.core_type = #tpu.core_type<tc>, window_params = [{transform_indices = @transform_0, window_bounds = array<i64: 16>}, {transform_indices = @transform_1, window_bounds = array<i64: 16>}, {transform_indices = @transform_2, window_bounds = array<i64: 1, 3, 8192>}, {transform_indices = @transform_3, window_bounds = array<i64: 1, 1, 8192>}, {transform_indices = @transform_4, window_bounds = array<i64: 1, 1024, 16>}]} {
    %mul3A = arith.constant 1024 : i32
    %mul3A_0 = arith.muli %arg1, %mul3A : i32
    %get3A = arith.constant 0 : index
    %get3A_1 = arith.constant 0 : index
    %get3A_2 = arith.index_cast %mul3A_0 : i32 to index
    %get3A_3 = vector.load %arg4[%get3A, %get3A_1, %get3A_2] : memref<1x3x8192xf32, #tpu.memory_space<vmem>>, vector<1x3x1024xf32>
    %get3A_4 = vector.shape_cast %get3A_3 : vector<1x3x1024xf32> to vector<3x1024xf32>
    %slice3A = vector.extract_strided_slice %get3A_4 {offsets = [0, 0], sizes = [1, 1024], strides = [1, 1]} : vector<3x1024xf32> to vector<1x1024xf32>
    %squeeze3A = vector.shape_cast %slice3A : vector<1x1024xf32> to vector<1024xf32>
    %reshape3A = vector.shape_cast %squeeze3A : vector<1024xf32> to vector<1024x1xf32>
    %slice3A_5 = vector.extract_strided_slice %get3A_4 {offsets = [1, 0], sizes = [1, 1024], strides = [1, 1]} : vector<3x1024xf32> to vector<1x1024xf32>
    %squeeze3A_6 = vector.shape_cast %slice3A_5 : vector<1x1024xf32> to vector<1024xf32>
    %reshape3A_7 = vector.shape_cast %squeeze3A_6 : vector<1024xf32> to vector<1024x1xf32>
    %slice3A_8 = vector.extract_strided_slice %get3A_4 {offsets = [2, 0], sizes = [1, 1024], strides = [1, 1]} : vector<3x1024xf32> to vector<1x1024xf32>
    %squeeze3A_9 = vector.shape_cast %slice3A_8 : vector<1x1024xf32> to vector<1024xf32>
    %reshape3A_10 = vector.shape_cast %squeeze3A_9 : vector<1024xf32> to vector<1024x1xf32>
    %broadcast_in_dim3A = arith.constant 8.192000e+03 : f32
    %broadcast_in_dim3A_11 = vector.broadcast %broadcast_in_dim3A : f32 to vector<1024x1xf32>
    %broadcast_in_dim3A_12 = arith.constant 8.192000e+03 : f32
    %broadcast_in_dim3A_13 = vector.broadcast %broadcast_in_dim3A_12 : f32 to vector<1024x1xf32>
    %broadcast_in_dim3A_14 = arith.constant 8.192000e+03 : f32
    %broadcast_in_dim3A_15 = vector.broadcast %broadcast_in_dim3A_14 : f32 to vector<1024x1xf32>
    %broadcast_in_dim3A_16 = arith.constant 8.192000e+03 : f32
    %broadcast_in_dim3A_17 = vector.broadcast %broadcast_in_dim3A_16 : f32 to vector<1024x1xf32>
    %broadcast_in_dim3A_18 = arith.constant 8.192000e+03 : f32
    %broadcast_in_dim3A_19 = vector.broadcast %broadcast_in_dim3A_18 : f32 to vector<1024x1xf32>
    %broadcast_in_dim3A_20 = arith.constant 8.192000e+03 : f32
    %broadcast_in_dim3A_21 = vector.broadcast %broadcast_in_dim3A_20 : f32 to vector<1024x1xf32>
    %broadcast_in_dim3A_22 = arith.constant 8.192000e+03 : f32
    %broadcast_in_dim3A_23 = vector.broadcast %broadcast_in_dim3A_22 : f32 to vector<1024x1xf32>
    %broadcast_in_dim3A_24 = arith.constant 8.192000e+03 : f32
    %broadcast_in_dim3A_25 = vector.broadcast %broadcast_in_dim3A_24 : f32 to vector<1024x1xf32>
    %broadcast_in_dim3A_26 = arith.constant 8.192000e+03 : f32
    %broadcast_in_dim3A_27 = vector.broadcast %broadcast_in_dim3A_26 : f32 to vector<1024x1xf32>
    %broadcast_in_dim3A_28 = arith.constant 8.192000e+03 : f32
    %broadcast_in_dim3A_29 = vector.broadcast %broadcast_in_dim3A_28 : f32 to vector<1024x1xf32>
    %broadcast_in_dim3A_30 = arith.constant 8.192000e+03 : f32
    %broadcast_in_dim3A_31 = vector.broadcast %broadcast_in_dim3A_30 : f32 to vector<1024x1xf32>
    %broadcast_in_dim3A_32 = arith.constant 8.192000e+03 : f32
    %broadcast_in_dim3A_33 = vector.broadcast %broadcast_in_dim3A_32 : f32 to vector<1024x1xf32>
    %broadcast_in_dim3A_34 = arith.constant 8.192000e+03 : f32
    %broadcast_in_dim3A_35 = vector.broadcast %broadcast_in_dim3A_34 : f32 to vector<1024x1xf32>
    %broadcast_in_dim3A_36 = arith.constant 8.192000e+03 : f32
    %broadcast_in_dim3A_37 = vector.broadcast %broadcast_in_dim3A_36 : f32 to vector<1024x1xf32>
    %broadcast_in_dim3A_38 = arith.constant 8.192000e+03 : f32
    %broadcast_in_dim3A_39 = vector.broadcast %broadcast_in_dim3A_38 : f32 to vector<1024x1xf32>
    %broadcast_in_dim3A_40 = arith.constant 8.192000e+03 : f32
    %broadcast_in_dim3A_41 = vector.broadcast %broadcast_in_dim3A_40 : f32 to vector<1024x1xf32>
    %mul3A_42 = arith.constant 8 : i32
    %mul3A_43 = arith.muli %arg0, %mul3A_42 : i32
    %add3A = arith.addi %mul3A_43, %arg1 : i32
    %get3A_44 = arith.index_cast %add3A : i32 to index
    %get3A_45 = memref.load %arg2[%get3A_44] : memref<16xi32, #tpu.memory_space<smem>>
    %get3A_46 = arith.index_cast %add3A : i32 to index
    %get3A_47 = memref.load %arg3[%get3A_46] : memref<16xi32, #tpu.memory_space<smem>>
    %while3A = arith.constant 0.00999999977 : f32
    %while3A_48 = arith.constant 8.192000e+03 : f32
    %while3A_49 = arith.subi %get3A_47, %get3A_45 : i32
    %while3A_50 = arith.addi %get3A_45, %while3A_49 : i32
    %while3A_51 = arith.constant 1 : i32
    %while3A_52 = arith.divsi %while3A_49, %while3A_51 : i32
    %while3A_53 = arith.muli %while3A_52, %while3A_51 : i32
    %while3A_54 = arith.addi %get3A_45, %while3A_53 : i32
    %while3A_55 = arith.constant 1 : i32
    %while3A_56:16 = scf.for %while3A_265 = %get3A_45 to %while3A_54 step %while3A_55 iter_args(%while3A_266 = %broadcast_in_dim3A_11, %while3A_267 = %broadcast_in_dim3A_13, %while3A_268 = %broadcast_in_dim3A_15, %while3A_269 = %broadcast_in_dim3A_17, %while3A_270 = %broadcast_in_dim3A_19, %while3A_271 = %broadcast_in_dim3A_21, %while3A_272 = %broadcast_in_dim3A_23, %while3A_273 = %broadcast_in_dim3A_25, %while3A_274 = %broadcast_in_dim3A_27, %while3A_275 = %broadcast_in_dim3A_29, %while3A_276 = %broadcast_in_dim3A_31, %while3A_277 = %broadcast_in_dim3A_33, %while3A_278 = %broadcast_in_dim3A_35, %while3A_279 = %broadcast_in_dim3A_37, %while3A_280 = %broadcast_in_dim3A_39, %while3A_281 = %broadcast_in_dim3A_41) -> (vector<1024x1xf32>, vector<1024x1xf32>, vector<1024x1xf32>, vector<1024x1xf32>, vector<1024x1xf32>, vector<1024x1xf32>, vector<1024x1xf32>, vector<1024x1xf32>, vector<1024x1xf32>, vector<1024x1xf32>, vector<1024x1xf32>, vector<1024x1xf32>, vector<1024x1xf32>, vector<1024x1xf32>, vector<1024x1xf32>, vector<1024x1xf32>)  : i32 {
      %mul3A_282 = arith.constant 1024 : i32
      %mul3A_283 = arith.muli %while3A_265, %mul3A_282 : i32
      %get3A_284 = arith.constant 0 : index
      %get3A_285 = arith.constant 0 : index
      %get3A_286 = arith.index_cast %mul3A_283 : i32 to index
      %get3A_287 = vector.load %arg4[%get3A_284, %get3A_285, %get3A_286] : memref<1x3x8192xf32, #tpu.memory_space<vmem>>, vector<1x3x1024xf32>
      %get3A_288 = vector.shape_cast %get3A_287 : vector<1x3x1024xf32> to vector<3x1024xf32>
      %get3A_289 = arith.constant 0 : index
      %get3A_290 = arith.constant 0 : index
      %get3A_291 = arith.index_cast %mul3A_283 : i32 to index
      %get3A_292 = vector.load %arg5[%get3A_289, %get3A_290, %get3A_291] : memref<1x1x8192xf32, #tpu.memory_space<vmem>>, vector<1x1x1024xf32>
      %get3A_293 = vector.shape_cast %get3A_292 : vector<1x1x1024xf32> to vector<1x1024xf32>
      %slice3A_294 = vector.extract_strided_slice %get3A_288 {offsets = [0, 0], sizes = [1, 1024], strides = [1, 1]} : vector<3x1024xf32> to vector<1x1024xf32>
      %squeeze3A_295 = vector.shape_cast %slice3A_294 : vector<1x1024xf32> to vector<1024xf32>
      %reshape3A_296 = vector.shape_cast %squeeze3A_295 : vector<1024xf32> to vector<1x1024xf32>
      %slice3A_297 = vector.extract_strided_slice %get3A_288 {offsets = [1, 0], sizes = [1, 1024], strides = [1, 1]} : vector<3x1024xf32> to vector<1x1024xf32>
      %squeeze3A_298 = vector.shape_cast %slice3A_297 : vector<1x1024xf32> to vector<1024xf32>
      %reshape3A_299 = vector.shape_cast %squeeze3A_298 : vector<1024xf32> to vector<1x1024xf32>
      %slice3A_300 = vector.extract_strided_slice %get3A_288 {offsets = [2, 0], sizes = [1, 1024], strides = [1, 1]} : vector<3x1024xf32> to vector<1x1024xf32>
      %squeeze3A_301 = vector.shape_cast %slice3A_300 : vector<1x1024xf32> to vector<1024xf32>
      %reshape3A_302 = vector.shape_cast %squeeze3A_301 : vector<1024xf32> to vector<1x1024xf32>
      %sub3A = vector.broadcast %reshape3A : vector<1024x1xf32> to vector<1024x1024xf32>
      %sub3A_303 = vector.broadcast %reshape3A_296 : vector<1x1024xf32> to vector<1024x1024xf32>
      %sub3A_304 = arith.subf %sub3A, %sub3A_303 : vector<1024x1024xf32>
      %sub3A_305 = vector.broadcast %reshape3A_7 : vector<1024x1xf32> to vector<1024x1024xf32>
      %sub3A_306 = vector.broadcast %reshape3A_299 : vector<1x1024xf32> to vector<1024x1024xf32>
      %sub3A_307 = arith.subf %sub3A_305, %sub3A_306 : vector<1024x1024xf32>
      %sub3A_308 = vector.broadcast %reshape3A_10 : vector<1024x1xf32> to vector<1024x1024xf32>
      %sub3A_309 = vector.broadcast %reshape3A_302 : vector<1x1024xf32> to vector<1024x1024xf32>
      %sub3A_310 = arith.subf %sub3A_308, %sub3A_309 : vector<1024x1024xf32>
      %mul3A_311 = arith.mulf %sub3A_304, %sub3A_304 : vector<1024x1024xf32>
      %mul3A_312 = arith.mulf %sub3A_307, %sub3A_307 : vector<1024x1024xf32>
      %add3A_313 = arith.addf %mul3A_311, %mul3A_312 : vector<1024x1024xf32>
      %mul3A_314 = arith.mulf %sub3A_310, %sub3A_310 : vector<1024x1024xf32>
      %add3A_315 = arith.addf %add3A_313, %mul3A_314 : vector<1024x1024xf32>
      %le3A = vector.broadcast %while3A : f32 to vector<1024x1024xf32>
      %le3A_316 = arith.cmpf ole, %add3A_315, %le3A : vector<1024x1024xf32>
      %broadcast_in_dim3A_317 = vector.shape_cast %get3A_293 : vector<1x1024xf32> to vector<1x1024xf32>
      %broadcast_in_dim3A_318 = vector.broadcast %broadcast_in_dim3A_317 : vector<1x1024xf32> to vector<1024x1024xf32>
      %broadcast_in_dim3A_319 = vector.broadcast %while3A_48 : f32 to vector<1024x1024xf32>
      %select_n3A_320 = arith.select %le3A_316, %broadcast_in_dim3A_318, %broadcast_in_dim3A_319 : vector<1024x1024xi1>, vector<1024x1024xf32>
      %broadcast_in_dim3A_321 = arith.constant -1.000000e+00 : f32
      %broadcast_in_dim3A_322 = vector.broadcast %broadcast_in_dim3A_321 : f32 to vector<1024x1xf32>
      %gt3A = vector.broadcast %broadcast_in_dim3A_322 : vector<1024x1xf32> to vector<1024x1024xf32>
      %gt3A_323 = arith.cmpf ogt, %select_n3A_320, %gt3A : vector<1024x1024xf32>
      %broadcast_in_dim3A_324 = vector.broadcast %while3A_48 : f32 to vector<1024x1024xf32>
      %select_n3A_325 = arith.select %gt3A_323, %select_n3A_320, %broadcast_in_dim3A_324 : vector<1024x1024xi1>, vector<1024x1024xf32>
      %reduce_min3A = arith.constant dense<0x7F800000> : vector<1024xf32>
      %reduce_min3A_326 = vector.multi_reduction <minimumf>, %select_n3A_325, %reduce_min3A [1] : vector<1024x1024xf32> to vector<1024xf32>
      %broadcast_in_dim3A_327 = vector.shape_cast %reduce_min3A_326 : vector<1024xf32> to vector<1024x1xf32>
      %gt3A_328 = vector.broadcast %broadcast_in_dim3A_327 : vector<1024x1xf32> to vector<1024x1024xf32>
      %gt3A_329 = arith.cmpf ogt, %select_n3A_320, %gt3A_328 : vector<1024x1024xf32>
      %broadcast_in_dim3A_330 = vector.broadcast %while3A_48 : f32 to vector<1024x1024xf32>
      %select_n3A_331 = arith.select %gt3A_329, %select_n3A_320, %broadcast_in_dim3A_330 : vector<1024x1024xi1>, vector<1024x1024xf32>
      %reduce_min3A_332 = arith.constant dense<0x7F800000> : vector<1024xf32>
      %reduce_min3A_333 = vector.multi_reduction <minimumf>, %select_n3A_331, %reduce_min3A_332 [1] : vector<1024x1024xf32> to vector<1024xf32>
      %broadcast_in_dim3A_334 = vector.shape_cast %reduce_min3A_333 : vector<1024xf32> to vector<1024x1xf32>
      %gt3A_335 = vector.broadcast %broadcast_in_dim3A_334 : vector<1024x1xf32> to vector<1024x1024xf32>
      %gt3A_336 = arith.cmpf ogt, %select_n3A_320, %gt3A_335 : vector<1024x1024xf32>
      %broadcast_in_dim3A_337 = vector.broadcast %while3A_48 : f32 to vector<1024x1024xf32>
      %select_n3A_338 = arith.select %gt3A_336, %select_n3A_320, %broadcast_in_dim3A_337 : vector<1024x1024xi1>, vector<1024x1024xf32>
      %reduce_min3A_339 = arith.constant dense<0x7F800000> : vector<1024xf32>
      %reduce_min3A_340 = vector.multi_reduction <minimumf>, %select_n3A_338, %reduce_min3A_339 [1] : vector<1024x1024xf32> to vector<1024xf32>
      %broadcast_in_dim3A_341 = vector.shape_cast %reduce_min3A_340 : vector<1024xf32> to vector<1024x1xf32>
      %gt3A_342 = vector.broadcast %broadcast_in_dim3A_341 : vector<1024x1xf32> to vector<1024x1024xf32>
      %gt3A_343 = arith.cmpf ogt, %select_n3A_320, %gt3A_342 : vector<1024x1024xf32>
      %broadcast_in_dim3A_344 = vector.broadcast %while3A_48 : f32 to vector<1024x1024xf32>
      %select_n3A_345 = arith.select %gt3A_343, %select_n3A_320, %broadcast_in_dim3A_344 : vector<1024x1024xi1>, vector<1024x1024xf32>
      %reduce_min3A_346 = arith.constant dense<0x7F800000> : vector<1024xf32>
      %reduce_min3A_347 = vector.multi_reduction <minimumf>, %select_n3A_345, %reduce_min3A_346 [1] : vector<1024x1024xf32> to vector<1024xf32>
      %broadcast_in_dim3A_348 = vector.shape_cast %reduce_min3A_347 : vector<1024xf32> to vector<1024x1xf32>
      %gt3A_349 = vector.broadcast %broadcast_in_dim3A_348 : vector<1024x1xf32> to vector<1024x1024xf32>
      %gt3A_350 = arith.cmpf ogt, %select_n3A_320, %gt3A_349 : vector<1024x1024xf32>
      %broadcast_in_dim3A_351 = vector.broadcast %while3A_48 : f32 to vector<1024x1024xf32>
      %select_n3A_352 = arith.select %gt3A_350, %select_n3A_320, %broadcast_in_dim3A_351 : vector<1024x1024xi1>, vector<1024x1024xf32>
      %reduce_min3A_353 = arith.constant dense<0x7F800000> : vector<1024xf32>
      %reduce_min3A_354 = vector.multi_reduction <minimumf>, %select_n3A_352, %reduce_min3A_353 [1] : vector<1024x1024xf32> to vector<1024xf32>
      %broadcast_in_dim3A_355 = vector.shape_cast %reduce_min3A_354 : vector<1024xf32> to vector<1024x1xf32>
      %gt3A_356 = vector.broadcast %broadcast_in_dim3A_355 : vector<1024x1xf32> to vector<1024x1024xf32>
      %gt3A_357 = arith.cmpf ogt, %select_n3A_320, %gt3A_356 : vector<1024x1024xf32>
      %broadcast_in_dim3A_358 = vector.broadcast %while3A_48 : f32 to vector<1024x1024xf32>
      %select_n3A_359 = arith.select %gt3A_357, %select_n3A_320, %broadcast_in_dim3A_358 : vector<1024x1024xi1>, vector<1024x1024xf32>
      %reduce_min3A_360 = arith.constant dense<0x7F800000> : vector<1024xf32>
      %reduce_min3A_361 = vector.multi_reduction <minimumf>, %select_n3A_359, %reduce_min3A_360 [1] : vector<1024x1024xf32> to vector<1024xf32>
      %broadcast_in_dim3A_362 = vector.shape_cast %reduce_min3A_361 : vector<1024xf32> to vector<1024x1xf32>
      %gt3A_363 = vector.broadcast %broadcast_in_dim3A_362 : vector<1024x1xf32> to vector<1024x1024xf32>
      %gt3A_364 = arith.cmpf ogt, %select_n3A_320, %gt3A_363 : vector<1024x1024xf32>
      %broadcast_in_dim3A_365 = vector.broadcast %while3A_48 : f32 to vector<1024x1024xf32>
      %select_n3A_366 = arith.select %gt3A_364, %select_n3A_320, %broadcast_in_dim3A_365 : vector<1024x1024xi1>, vector<1024x1024xf32>
      %reduce_min3A_367 = arith.constant dense<0x7F800000> : vector<1024xf32>
      %reduce_min3A_368 = vector.multi_reduction <minimumf>, %select_n3A_366, %reduce_min3A_367 [1] : vector<1024x1024xf32> to vector<1024xf32>
      %broadcast_in_dim3A_369 = vector.shape_cast %reduce_min3A_368 : vector<1024xf32> to vector<1024x1xf32>
      %gt3A_370 = vector.broadcast %broadcast_in_dim3A_369 : vector<1024x1xf32> to vector<1024x1024xf32>
      %gt3A_371 = arith.cmpf ogt, %select_n3A_320, %gt3A_370 : vector<1024x1024xf32>
      %broadcast_in_dim3A_372 = vector.broadcast %while3A_48 : f32 to vector<1024x1024xf32>
      %select_n3A_373 = arith.select %gt3A_371, %select_n3A_320, %broadcast_in_dim3A_372 : vector<1024x1024xi1>, vector<1024x1024xf32>
      %reduce_min3A_374 = arith.constant dense<0x7F800000> : vector<1024xf32>
      %reduce_min3A_375 = vector.multi_reduction <minimumf>, %select_n3A_373, %reduce_min3A_374 [1] : vector<1024x1024xf32> to vector<1024xf32>
      %broadcast_in_dim3A_376 = vector.shape_cast %reduce_min3A_375 : vector<1024xf32> to vector<1024x1xf32>
      %gt3A_377 = vector.broadcast %broadcast_in_dim3A_376 : vector<1024x1xf32> to vector<1024x1024xf32>
      %gt3A_378 = arith.cmpf ogt, %select_n3A_320, %gt3A_377 : vector<1024x1024xf32>
      %broadcast_in_dim3A_379 = vector.broadcast %while3A_48 : f32 to vector<1024x1024xf32>
      %select_n3A_380 = arith.select %gt3A_378, %select_n3A_320, %broadcast_in_dim3A_379 : vector<1024x1024xi1>, vector<1024x1024xf32>
      %reduce_min3A_381 = arith.constant dense<0x7F800000> : vector<1024xf32>
      %reduce_min3A_382 = vector.multi_reduction <minimumf>, %select_n3A_380, %reduce_min3A_381 [1] : vector<1024x1024xf32> to vector<1024xf32>
      %broadcast_in_dim3A_383 = vector.shape_cast %reduce_min3A_382 : vector<1024xf32> to vector<1024x1xf32>
      %gt3A_384 = vector.broadcast %broadcast_in_dim3A_383 : vector<1024x1xf32> to vector<1024x1024xf32>
      %gt3A_385 = arith.cmpf ogt, %select_n3A_320, %gt3A_384 : vector<1024x1024xf32>
      %broadcast_in_dim3A_386 = vector.broadcast %while3A_48 : f32 to vector<1024x1024xf32>
      %select_n3A_387 = arith.select %gt3A_385, %select_n3A_320, %broadcast_in_dim3A_386 : vector<1024x1024xi1>, vector<1024x1024xf32>
      %reduce_min3A_388 = arith.constant dense<0x7F800000> : vector<1024xf32>
      %reduce_min3A_389 = vector.multi_reduction <minimumf>, %select_n3A_387, %reduce_min3A_388 [1] : vector<1024x1024xf32> to vector<1024xf32>
      %broadcast_in_dim3A_390 = vector.shape_cast %reduce_min3A_389 : vector<1024xf32> to vector<1024x1xf32>
      %gt3A_391 = vector.broadcast %broadcast_in_dim3A_390 : vector<1024x1xf32> to vector<1024x1024xf32>
      %gt3A_392 = arith.cmpf ogt, %select_n3A_320, %gt3A_391 : vector<1024x1024xf32>
      %broadcast_in_dim3A_393 = vector.broadcast %while3A_48 : f32 to vector<1024x1024xf32>
      %select_n3A_394 = arith.select %gt3A_392, %select_n3A_320, %broadcast_in_dim3A_393 : vector<1024x1024xi1>, vector<1024x1024xf32>
      %reduce_min3A_395 = arith.constant dense<0x7F800000> : vector<1024xf32>
      %reduce_min3A_396 = vector.multi_reduction <minimumf>, %select_n3A_394, %reduce_min3A_395 [1] : vector<1024x1024xf32> to vector<1024xf32>
      %broadcast_in_dim3A_397 = vector.shape_cast %reduce_min3A_396 : vector<1024xf32> to vector<1024x1xf32>
      %gt3A_398 = vector.broadcast %broadcast_in_dim3A_397 : vector<1024x1xf32> to vector<1024x1024xf32>
      %gt3A_399 = arith.cmpf ogt, %select_n3A_320, %gt3A_398 : vector<1024x1024xf32>
      %broadcast_in_dim3A_400 = vector.broadcast %while3A_48 : f32 to vector<1024x1024xf32>
      %select_n3A_401 = arith.select %gt3A_399, %select_n3A_320, %broadcast_in_dim3A_400 : vector<1024x1024xi1>, vector<1024x1024xf32>
      %reduce_min3A_402 = arith.constant dense<0x7F800000> : vector<1024xf32>
      %reduce_min3A_403 = vector.multi_reduction <minimumf>, %select_n3A_401, %reduce_min3A_402 [1] : vector<1024x1024xf32> to vector<1024xf32>
      %broadcast_in_dim3A_404 = vector.shape_cast %reduce_min3A_403 : vector<1024xf32> to vector<1024x1xf32>
      %gt3A_405 = vector.broadcast %broadcast_in_dim3A_404 : vector<1024x1xf32> to vector<1024x1024xf32>
      %gt3A_406 = arith.cmpf ogt, %select_n3A_320, %gt3A_405 : vector<1024x1024xf32>
      %broadcast_in_dim3A_407 = vector.broadcast %while3A_48 : f32 to vector<1024x1024xf32>
      %select_n3A_408 = arith.select %gt3A_406, %select_n3A_320, %broadcast_in_dim3A_407 : vector<1024x1024xi1>, vector<1024x1024xf32>
      %reduce_min3A_409 = arith.constant dense<0x7F800000> : vector<1024xf32>
      %reduce_min3A_410 = vector.multi_reduction <minimumf>, %select_n3A_408, %reduce_min3A_409 [1] : vector<1024x1024xf32> to vector<1024xf32>
      %broadcast_in_dim3A_411 = vector.shape_cast %reduce_min3A_410 : vector<1024xf32> to vector<1024x1xf32>
      %gt3A_412 = vector.broadcast %broadcast_in_dim3A_411 : vector<1024x1xf32> to vector<1024x1024xf32>
      %gt3A_413 = arith.cmpf ogt, %select_n3A_320, %gt3A_412 : vector<1024x1024xf32>
      %broadcast_in_dim3A_414 = vector.broadcast %while3A_48 : f32 to vector<1024x1024xf32>
      %select_n3A_415 = arith.select %gt3A_413, %select_n3A_320, %broadcast_in_dim3A_414 : vector<1024x1024xi1>, vector<1024x1024xf32>
      %reduce_min3A_416 = arith.constant dense<0x7F800000> : vector<1024xf32>
      %reduce_min3A_417 = vector.multi_reduction <minimumf>, %select_n3A_415, %reduce_min3A_416 [1] : vector<1024x1024xf32> to vector<1024xf32>
      %broadcast_in_dim3A_418 = vector.shape_cast %reduce_min3A_417 : vector<1024xf32> to vector<1024x1xf32>
      %gt3A_419 = vector.broadcast %broadcast_in_dim3A_418 : vector<1024x1xf32> to vector<1024x1024xf32>
      %gt3A_420 = arith.cmpf ogt, %select_n3A_320, %gt3A_419 : vector<1024x1024xf32>
      %broadcast_in_dim3A_421 = vector.broadcast %while3A_48 : f32 to vector<1024x1024xf32>
      %select_n3A_422 = arith.select %gt3A_420, %select_n3A_320, %broadcast_in_dim3A_421 : vector<1024x1024xi1>, vector<1024x1024xf32>
      %reduce_min3A_423 = arith.constant dense<0x7F800000> : vector<1024xf32>
      %reduce_min3A_424 = vector.multi_reduction <minimumf>, %select_n3A_422, %reduce_min3A_423 [1] : vector<1024x1024xf32> to vector<1024xf32>
      %broadcast_in_dim3A_425 = vector.shape_cast %reduce_min3A_424 : vector<1024xf32> to vector<1024x1xf32>
      %gt3A_426 = vector.broadcast %broadcast_in_dim3A_425 : vector<1024x1xf32> to vector<1024x1024xf32>
      %gt3A_427 = arith.cmpf ogt, %select_n3A_320, %gt3A_426 : vector<1024x1024xf32>
      %broadcast_in_dim3A_428 = vector.broadcast %while3A_48 : f32 to vector<1024x1024xf32>
      %select_n3A_429 = arith.select %gt3A_427, %select_n3A_320, %broadcast_in_dim3A_428 : vector<1024x1024xi1>, vector<1024x1024xf32>
      %reduce_min3A_430 = arith.constant dense<0x7F800000> : vector<1024xf32>
      %reduce_min3A_431 = vector.multi_reduction <minimumf>, %select_n3A_429, %reduce_min3A_430 [1] : vector<1024x1024xf32> to vector<1024xf32>
      %broadcast_in_dim3A_432 = vector.shape_cast %reduce_min3A_431 : vector<1024xf32> to vector<1024x1xf32>
      %min3A = arith.minimumf %while3A_266, %broadcast_in_dim3A_432 : vector<1024x1xf32>
      %min3A_433 = arith.minimumf %while3A_267, %broadcast_in_dim3A_425 : vector<1024x1xf32>
      %min3A_434 = arith.minimumf %while3A_268, %broadcast_in_dim3A_418 : vector<1024x1xf32>
      %min3A_435 = arith.minimumf %while3A_269, %broadcast_in_dim3A_411 : vector<1024x1xf32>
      %min3A_436 = arith.minimumf %while3A_270, %broadcast_in_dim3A_404 : vector<1024x1xf32>
      %min3A_437 = arith.minimumf %while3A_271, %broadcast_in_dim3A_397 : vector<1024x1xf32>
      %min3A_438 = arith.minimumf %while3A_272, %broadcast_in_dim3A_390 : vector<1024x1xf32>
      %min3A_439 = arith.minimumf %while3A_273, %broadcast_in_dim3A_383 : vector<1024x1xf32>
      %min3A_440 = arith.minimumf %while3A_274, %broadcast_in_dim3A_376 : vector<1024x1xf32>
      %min3A_441 = arith.minimumf %while3A_275, %broadcast_in_dim3A_369 : vector<1024x1xf32>
      %min3A_442 = arith.minimumf %while3A_276, %broadcast_in_dim3A_362 : vector<1024x1xf32>
      %min3A_443 = arith.minimumf %while3A_277, %broadcast_in_dim3A_355 : vector<1024x1xf32>
      %min3A_444 = arith.minimumf %while3A_278, %broadcast_in_dim3A_348 : vector<1024x1xf32>
      %min3A_445 = arith.minimumf %while3A_279, %broadcast_in_dim3A_341 : vector<1024x1xf32>
      %min3A_446 = arith.minimumf %while3A_280, %broadcast_in_dim3A_334 : vector<1024x1xf32>
      %min3A_447 = arith.minimumf %while3A_281, %broadcast_in_dim3A_327 : vector<1024x1xf32>
      %min3A_448 = arith.minimumf %min3A, %min3A_440 : vector<1024x1xf32>
      %max3A = arith.maximumf %min3A, %min3A_440 : vector<1024x1xf32>
      %min3A_449 = arith.minimumf %min3A_433, %min3A_441 : vector<1024x1xf32>
      %max3A_450 = arith.maximumf %min3A_433, %min3A_441 : vector<1024x1xf32>
      %min3A_451 = arith.minimumf %min3A_434, %min3A_442 : vector<1024x1xf32>
      %max3A_452 = arith.maximumf %min3A_434, %min3A_442 : vector<1024x1xf32>
      %min3A_453 = arith.minimumf %min3A_435, %min3A_443 : vector<1024x1xf32>
      %max3A_454 = arith.maximumf %min3A_435, %min3A_443 : vector<1024x1xf32>
      %min3A_455 = arith.minimumf %min3A_436, %min3A_444 : vector<1024x1xf32>
      %max3A_456 = arith.maximumf %min3A_436, %min3A_444 : vector<1024x1xf32>
      %min3A_457 = arith.minimumf %min3A_437, %min3A_445 : vector<1024x1xf32>
      %max3A_458 = arith.maximumf %min3A_437, %min3A_445 : vector<1024x1xf32>
      %min3A_459 = arith.minimumf %min3A_438, %min3A_446 : vector<1024x1xf32>
      %max3A_460 = arith.maximumf %min3A_438, %min3A_446 : vector<1024x1xf32>
      %min3A_461 = arith.minimumf %min3A_439, %min3A_447 : vector<1024x1xf32>
      %max3A_462 = arith.maximumf %min3A_439, %min3A_447 : vector<1024x1xf32>
      %min3A_463 = arith.minimumf %min3A_448, %min3A_455 : vector<1024x1xf32>
      %max3A_464 = arith.maximumf %min3A_448, %min3A_455 : vector<1024x1xf32>
      %min3A_465 = arith.minimumf %min3A_449, %min3A_457 : vector<1024x1xf32>
      %max3A_466 = arith.maximumf %min3A_449, %min3A_457 : vector<1024x1xf32>
      %min3A_467 = arith.minimumf %min3A_451, %min3A_459 : vector<1024x1xf32>
      %max3A_468 = arith.maximumf %min3A_451, %min3A_459 : vector<1024x1xf32>
      %min3A_469 = arith.minimumf %min3A_453, %min3A_461 : vector<1024x1xf32>
      %max3A_470 = arith.maximumf %min3A_453, %min3A_461 : vector<1024x1xf32>
      %min3A_471 = arith.minimumf %max3A, %max3A_456 : vector<1024x1xf32>
      %max3A_472 = arith.maximumf %max3A, %max3A_456 : vector<1024x1xf32>
      %min3A_473 = arith.minimumf %max3A_450, %max3A_458 : vector<1024x1xf32>
      %max3A_474 = arith.maximumf %max3A_450, %max3A_458 : vector<1024x1xf32>
      %min3A_475 = arith.minimumf %max3A_452, %max3A_460 : vector<1024x1xf32>
      %max3A_476 = arith.maximumf %max3A_452, %max3A_460 : vector<1024x1xf32>
      %min3A_477 = arith.minimumf %max3A_454, %max3A_462 : vector<1024x1xf32>
      %max3A_478 = arith.maximumf %max3A_454, %max3A_462 : vector<1024x1xf32>
      %min3A_479 = arith.minimumf %min3A_463, %min3A_467 : vector<1024x1xf32>
      %max3A_480 = arith.maximumf %min3A_463, %min3A_467 : vector<1024x1xf32>
      %min3A_481 = arith.minimumf %min3A_465, %min3A_469 : vector<1024x1xf32>
      %max3A_482 = arith.maximumf %min3A_465, %min3A_469 : vector<1024x1xf32>
      %min3A_483 = arith.minimumf %max3A_464, %max3A_468 : vector<1024x1xf32>
      %max3A_484 = arith.maximumf %max3A_464, %max3A_468 : vector<1024x1xf32>
      %min3A_485 = arith.minimumf %max3A_466, %max3A_470 : vector<1024x1xf32>
      %max3A_486 = arith.maximumf %max3A_466, %max3A_470 : vector<1024x1xf32>
      %min3A_487 = arith.minimumf %min3A_471, %min3A_475 : vector<1024x1xf32>
      %max3A_488 = arith.maximumf %min3A_471, %min3A_475 : vector<1024x1xf32>
      %min3A_489 = arith.minimumf %min3A_473, %min3A_477 : vector<1024x1xf32>
      %max3A_490 = arith.maximumf %min3A_473, %min3A_477 : vector<1024x1xf32>
      %min3A_491 = arith.minimumf %max3A_472, %max3A_476 : vector<1024x1xf32>
      %max3A_492 = arith.maximumf %max3A_472, %max3A_476 : vector<1024x1xf32>
      %min3A_493 = arith.minimumf %max3A_474, %max3A_478 : vector<1024x1xf32>
      %max3A_494 = arith.maximumf %max3A_474, %max3A_478 : vector<1024x1xf32>
      %min3A_495 = arith.minimumf %min3A_479, %min3A_481 : vector<1024x1xf32>
      %max3A_496 = arith.maximumf %min3A_479, %min3A_481 : vector<1024x1xf32>
      %min3A_497 = arith.minimumf %max3A_480, %max3A_482 : vector<1024x1xf32>
      %max3A_498 = arith.maximumf %max3A_480, %max3A_482 : vector<1024x1xf32>
      %min3A_499 = arith.minimumf %min3A_483, %min3A_485 : vector<1024x1xf32>
      %max3A_500 = arith.maximumf %min3A_483, %min3A_485 : vector<1024x1xf32>
      %min3A_501 = arith.minimumf %max3A_484, %max3A_486 : vector<1024x1xf32>
      %max3A_502 = arith.maximumf %max3A_484, %max3A_486 : vector<1024x1xf32>
      %min3A_503 = arith.minimumf %min3A_487, %min3A_489 : vector<1024x1xf32>
      %max3A_504 = arith.maximumf %min3A_487, %min3A_489 : vector<1024x1xf32>
      %min3A_505 = arith.minimumf %max3A_488, %max3A_490 : vector<1024x1xf32>
      %max3A_506 = arith.maximumf %max3A_488, %max3A_490 : vector<1024x1xf32>
      %min3A_507 = arith.minimumf %min3A_491, %min3A_493 : vector<1024x1xf32>
      %max3A_508 = arith.maximumf %min3A_491, %min3A_493 : vector<1024x1xf32>
      %min3A_509 = arith.minimumf %max3A_492, %max3A_494 : vector<1024x1xf32>
      %max3A_510 = arith.maximumf %max3A_492, %max3A_494 : vector<1024x1xf32>
      scf.yield %min3A_495, %max3A_496, %min3A_497, %max3A_498, %min3A_499, %max3A_500, %min3A_501, %max3A_502, %min3A_503, %max3A_504, %min3A_505, %max3A_506, %min3A_507, %max3A_508, %min3A_509, %max3A_510 : vector<1024x1xf32>, vector<1024x1xf32>, vector<1024x1xf32>, vector<1024x1xf32>, vector<1024x1xf32>, vector<1024x1xf32>, vector<1024x1xf32>, vector<1024x1xf32>, vector<1024x1xf32>, vector<1024x1xf32>, vector<1024x1xf32>, vector<1024x1xf32>, vector<1024x1xf32>, vector<1024x1xf32>, vector<1024x1xf32>, vector<1024x1xf32>
    }
    %while3A_57 = arith.constant 1 : i32
    %while3A_58:16 = scf.for %while3A_265 = %while3A_54 to %while3A_50 step %while3A_57 iter_args(%while3A_266 = %while3A_56#0, %while3A_267 = %while3A_56#1, %while3A_268 = %while3A_56#2, %while3A_269 = %while3A_56#3, %while3A_270 = %while3A_56#4, %while3A_271 = %while3A_56#5, %while3A_272 = %while3A_56#6, %while3A_273 = %while3A_56#7, %while3A_274 = %while3A_56#8, %while3A_275 = %while3A_56#9, %while3A_276 = %while3A_56#10, %while3A_277 = %while3A_56#11, %while3A_278 = %while3A_56#12, %while3A_279 = %while3A_56#13, %while3A_280 = %while3A_56#14, %while3A_281 = %while3A_56#15) -> (vector<1024x1xf32>, vector<1024x1xf32>, vector<1024x1xf32>, vector<1024x1xf32>, vector<1024x1xf32>, vector<1024x1xf32>, vector<1024x1xf32>, vector<1024x1xf32>, vector<1024x1xf32>, vector<1024x1xf32>, vector<1024x1xf32>, vector<1024x1xf32>, vector<1024x1xf32>, vector<1024x1xf32>, vector<1024x1xf32>, vector<1024x1xf32>)  : i32 {
      %mul3A_282 = arith.constant 1024 : i32
      %mul3A_283 = arith.muli %while3A_265, %mul3A_282 : i32
      %get3A_284 = arith.constant 0 : index
      %get3A_285 = arith.constant 0 : index
      %get3A_286 = arith.index_cast %mul3A_283 : i32 to index
      %get3A_287 = vector.load %arg4[%get3A_284, %get3A_285, %get3A_286] : memref<1x3x8192xf32, #tpu.memory_space<vmem>>, vector<1x3x1024xf32>
      %get3A_288 = vector.shape_cast %get3A_287 : vector<1x3x1024xf32> to vector<3x1024xf32>
      %get3A_289 = arith.constant 0 : index
      %get3A_290 = arith.constant 0 : index
      %get3A_291 = arith.index_cast %mul3A_283 : i32 to index
      %get3A_292 = vector.load %arg5[%get3A_289, %get3A_290, %get3A_291] : memref<1x1x8192xf32, #tpu.memory_space<vmem>>, vector<1x1x1024xf32>
      %get3A_293 = vector.shape_cast %get3A_292 : vector<1x1x1024xf32> to vector<1x1024xf32>
      %slice3A_294 = vector.extract_strided_slice %get3A_288 {offsets = [0, 0], sizes = [1, 1024], strides = [1, 1]} : vector<3x1024xf32> to vector<1x1024xf32>
      %squeeze3A_295 = vector.shape_cast %slice3A_294 : vector<1x1024xf32> to vector<1024xf32>
      %reshape3A_296 = vector.shape_cast %squeeze3A_295 : vector<1024xf32> to vector<1x1024xf32>
      %slice3A_297 = vector.extract_strided_slice %get3A_288 {offsets = [1, 0], sizes = [1, 1024], strides = [1, 1]} : vector<3x1024xf32> to vector<1x1024xf32>
      %squeeze3A_298 = vector.shape_cast %slice3A_297 : vector<1x1024xf32> to vector<1024xf32>
      %reshape3A_299 = vector.shape_cast %squeeze3A_298 : vector<1024xf32> to vector<1x1024xf32>
      %slice3A_300 = vector.extract_strided_slice %get3A_288 {offsets = [2, 0], sizes = [1, 1024], strides = [1, 1]} : vector<3x1024xf32> to vector<1x1024xf32>
      %squeeze3A_301 = vector.shape_cast %slice3A_300 : vector<1x1024xf32> to vector<1024xf32>
      %reshape3A_302 = vector.shape_cast %squeeze3A_301 : vector<1024xf32> to vector<1x1024xf32>
      %sub3A = vector.broadcast %reshape3A : vector<1024x1xf32> to vector<1024x1024xf32>
      %sub3A_303 = vector.broadcast %reshape3A_296 : vector<1x1024xf32> to vector<1024x1024xf32>
      %sub3A_304 = arith.subf %sub3A, %sub3A_303 : vector<1024x1024xf32>
      %sub3A_305 = vector.broadcast %reshape3A_7 : vector<1024x1xf32> to vector<1024x1024xf32>
      %sub3A_306 = vector.broadcast %reshape3A_299 : vector<1x1024xf32> to vector<1024x1024xf32>
      %sub3A_307 = arith.subf %sub3A_305, %sub3A_306 : vector<1024x1024xf32>
      %sub3A_308 = vector.broadcast %reshape3A_10 : vector<1024x1xf32> to vector<1024x1024xf32>
      %sub3A_309 = vector.broadcast %reshape3A_302 : vector<1x1024xf32> to vector<1024x1024xf32>
      %sub3A_310 = arith.subf %sub3A_308, %sub3A_309 : vector<1024x1024xf32>
      %mul3A_311 = arith.mulf %sub3A_304, %sub3A_304 : vector<1024x1024xf32>
      %mul3A_312 = arith.mulf %sub3A_307, %sub3A_307 : vector<1024x1024xf32>
      %add3A_313 = arith.addf %mul3A_311, %mul3A_312 : vector<1024x1024xf32>
      %mul3A_314 = arith.mulf %sub3A_310, %sub3A_310 : vector<1024x1024xf32>
      %add3A_315 = arith.addf %add3A_313, %mul3A_314 : vector<1024x1024xf32>
      %le3A = vector.broadcast %while3A : f32 to vector<1024x1024xf32>
      %le3A_316 = arith.cmpf ole, %add3A_315, %le3A : vector<1024x1024xf32>
      %broadcast_in_dim3A_317 = vector.shape_cast %get3A_293 : vector<1x1024xf32> to vector<1x1024xf32>
      %broadcast_in_dim3A_318 = vector.broadcast %broadcast_in_dim3A_317 : vector<1x1024xf32> to vector<1024x1024xf32>
      %broadcast_in_dim3A_319 = vector.broadcast %while3A_48 : f32 to vector<1024x1024xf32>
      %select_n3A_320 = arith.select %le3A_316, %broadcast_in_dim3A_318, %broadcast_in_dim3A_319 : vector<1024x1024xi1>, vector<1024x1024xf32>
      %broadcast_in_dim3A_321 = arith.constant -1.000000e+00 : f32
      %broadcast_in_dim3A_322 = vector.broadcast %broadcast_in_dim3A_321 : f32 to vector<1024x1xf32>
      %gt3A = vector.broadcast %broadcast_in_dim3A_322 : vector<1024x1xf32> to vector<1024x1024xf32>
      %gt3A_323 = arith.cmpf ogt, %select_n3A_320, %gt3A : vector<1024x1024xf32>
      %broadcast_in_dim3A_324 = vector.broadcast %while3A_48 : f32 to vector<1024x1024xf32>
      %select_n3A_325 = arith.select %gt3A_323, %select_n3A_320, %broadcast_in_dim3A_324 : vector<1024x1024xi1>, vector<1024x1024xf32>
      %reduce_min3A = arith.constant dense<0x7F800000> : vector<1024xf32>
      %reduce_min3A_326 = vector.multi_reduction <minimumf>, %select_n3A_325, %reduce_min3A [1] : vector<1024x1024xf32> to vector<1024xf32>
      %broadcast_in_dim3A_327 = vector.shape_cast %reduce_min3A_326 : vector<1024xf32> to vector<1024x1xf32>
      %gt3A_328 = vector.broadcast %broadcast_in_dim3A_327 : vector<1024x1xf32> to vector<1024x1024xf32>
      %gt3A_329 = arith.cmpf ogt, %select_n3A_320, %gt3A_328 : vector<1024x1024xf32>
      %broadcast_in_dim3A_330 = vector.broadcast %while3A_48 : f32 to vector<1024x1024xf32>
      %select_n3A_331 = arith.select %gt3A_329, %select_n3A_320, %broadcast_in_dim3A_330 : vector<1024x1024xi1>, vector<1024x1024xf32>
      %reduce_min3A_332 = arith.constant dense<0x7F800000> : vector<1024xf32>
      %reduce_min3A_333 = vector.multi_reduction <minimumf>, %select_n3A_331, %reduce_min3A_332 [1] : vector<1024x1024xf32> to vector<1024xf32>
      %broadcast_in_dim3A_334 = vector.shape_cast %reduce_min3A_333 : vector<1024xf32> to vector<1024x1xf32>
      %gt3A_335 = vector.broadcast %broadcast_in_dim3A_334 : vector<1024x1xf32> to vector<1024x1024xf32>
      %gt3A_336 = arith.cmpf ogt, %select_n3A_320, %gt3A_335 : vector<1024x1024xf32>
      %broadcast_in_dim3A_337 = vector.broadcast %while3A_48 : f32 to vector<1024x1024xf32>
      %select_n3A_338 = arith.select %gt3A_336, %select_n3A_320, %broadcast_in_dim3A_337 : vector<1024x1024xi1>, vector<1024x1024xf32>
      %reduce_min3A_339 = arith.constant dense<0x7F800000> : vector<1024xf32>
      %reduce_min3A_340 = vector.multi_reduction <minimumf>, %select_n3A_338, %reduce_min3A_339 [1] : vector<1024x1024xf32> to vector<1024xf32>
      %broadcast_in_dim3A_341 = vector.shape_cast %reduce_min3A_340 : vector<1024xf32> to vector<1024x1xf32>
      %gt3A_342 = vector.broadcast %broadcast_in_dim3A_341 : vector<1024x1xf32> to vector<1024x1024xf32>
      %gt3A_343 = arith.cmpf ogt, %select_n3A_320, %gt3A_342 : vector<1024x1024xf32>
      %broadcast_in_dim3A_344 = vector.broadcast %while3A_48 : f32 to vector<1024x1024xf32>
      %select_n3A_345 = arith.select %gt3A_343, %select_n3A_320, %broadcast_in_dim3A_344 : vector<1024x1024xi1>, vector<1024x1024xf32>
      %reduce_min3A_346 = arith.constant dense<0x7F800000> : vector<1024xf32>
      %reduce_min3A_347 = vector.multi_reduction <minimumf>, %select_n3A_345, %reduce_min3A_346 [1] : vector<1024x1024xf32> to vector<1024xf32>
      %broadcast_in_dim3A_348 = vector.shape_cast %reduce_min3A_347 : vector<1024xf32> to vector<1024x1xf32>
      %gt3A_349 = vector.broadcast %broadcast_in_dim3A_348 : vector<1024x1xf32> to vector<1024x1024xf32>
      %gt3A_350 = arith.cmpf ogt, %select_n3A_320, %gt3A_349 : vector<1024x1024xf32>
      %broadcast_in_dim3A_351 = vector.broadcast %while3A_48 : f32 to vector<1024x1024xf32>
      %select_n3A_352 = arith.select %gt3A_350, %select_n3A_320, %broadcast_in_dim3A_351 : vector<1024x1024xi1>, vector<1024x1024xf32>
      %reduce_min3A_353 = arith.constant dense<0x7F800000> : vector<1024xf32>
      %reduce_min3A_354 = vector.multi_reduction <minimumf>, %select_n3A_352, %reduce_min3A_353 [1] : vector<1024x1024xf32> to vector<1024xf32>
      %broadcast_in_dim3A_355 = vector.shape_cast %reduce_min3A_354 : vector<1024xf32> to vector<1024x1xf32>
      %gt3A_356 = vector.broadcast %broadcast_in_dim3A_355 : vector<1024x1xf32> to vector<1024x1024xf32>
      %gt3A_357 = arith.cmpf ogt, %select_n3A_320, %gt3A_356 : vector<1024x1024xf32>
      %broadcast_in_dim3A_358 = vector.broadcast %while3A_48 : f32 to vector<1024x1024xf32>
      %select_n3A_359 = arith.select %gt3A_357, %select_n3A_320, %broadcast_in_dim3A_358 : vector<1024x1024xi1>, vector<1024x1024xf32>
      %reduce_min3A_360 = arith.constant dense<0x7F800000> : vector<1024xf32>
      %reduce_min3A_361 = vector.multi_reduction <minimumf>, %select_n3A_359, %reduce_min3A_360 [1] : vector<1024x1024xf32> to vector<1024xf32>
      %broadcast_in_dim3A_362 = vector.shape_cast %reduce_min3A_361 : vector<1024xf32> to vector<1024x1xf32>
      %gt3A_363 = vector.broadcast %broadcast_in_dim3A_362 : vector<1024x1xf32> to vector<1024x1024xf32>
      %gt3A_364 = arith.cmpf ogt, %select_n3A_320, %gt3A_363 : vector<1024x1024xf32>
      %broadcast_in_dim3A_365 = vector.broadcast %while3A_48 : f32 to vector<1024x1024xf32>
      %select_n3A_366 = arith.select %gt3A_364, %select_n3A_320, %broadcast_in_dim3A_365 : vector<1024x1024xi1>, vector<1024x1024xf32>
      %reduce_min3A_367 = arith.constant dense<0x7F800000> : vector<1024xf32>
      %reduce_min3A_368 = vector.multi_reduction <minimumf>, %select_n3A_366, %reduce_min3A_367 [1] : vector<1024x1024xf32> to vector<1024xf32>
      %broadcast_in_dim3A_369 = vector.shape_cast %reduce_min3A_368 : vector<1024xf32> to vector<1024x1xf32>
      %gt3A_370 = vector.broadcast %broadcast_in_dim3A_369 : vector<1024x1xf32> to vector<1024x1024xf32>
      %gt3A_371 = arith.cmpf ogt, %select_n3A_320, %gt3A_370 : vector<1024x1024xf32>
      %broadcast_in_dim3A_372 = vector.broadcast %while3A_48 : f32 to vector<1024x1024xf32>
      %select_n3A_373 = arith.select %gt3A_371, %select_n3A_320, %broadcast_in_dim3A_372 : vector<1024x1024xi1>, vector<1024x1024xf32>
      %reduce_min3A_374 = arith.constant dense<0x7F800000> : vector<1024xf32>
      %reduce_min3A_375 = vector.multi_reduction <minimumf>, %select_n3A_373, %reduce_min3A_374 [1] : vector<1024x1024xf32> to vector<1024xf32>
      %broadcast_in_dim3A_376 = vector.shape_cast %reduce_min3A_375 : vector<1024xf32> to vector<1024x1xf32>
      %gt3A_377 = vector.broadcast %broadcast_in_dim3A_376 : vector<1024x1xf32> to vector<1024x1024xf32>
      %gt3A_378 = arith.cmpf ogt, %select_n3A_320, %gt3A_377 : vector<1024x1024xf32>
      %broadcast_in_dim3A_379 = vector.broadcast %while3A_48 : f32 to vector<1024x1024xf32>
      %select_n3A_380 = arith.select %gt3A_378, %select_n3A_320, %broadcast_in_dim3A_379 : vector<1024x1024xi1>, vector<1024x1024xf32>
      %reduce_min3A_381 = arith.constant dense<0x7F800000> : vector<1024xf32>
      %reduce_min3A_382 = vector.multi_reduction <minimumf>, %select_n3A_380, %reduce_min3A_381 [1] : vector<1024x1024xf32> to vector<1024xf32>
      %broadcast_in_dim3A_383 = vector.shape_cast %reduce_min3A_382 : vector<1024xf32> to vector<1024x1xf32>
      %gt3A_384 = vector.broadcast %broadcast_in_dim3A_383 : vector<1024x1xf32> to vector<1024x1024xf32>
      %gt3A_385 = arith.cmpf ogt, %select_n3A_320, %gt3A_384 : vector<1024x1024xf32>
      %broadcast_in_dim3A_386 = vector.broadcast %while3A_48 : f32 to vector<1024x1024xf32>
      %select_n3A_387 = arith.select %gt3A_385, %select_n3A_320, %broadcast_in_dim3A_386 : vector<1024x1024xi1>, vector<1024x1024xf32>
      %reduce_min3A_388 = arith.constant dense<0x7F800000> : vector<1024xf32>
      %reduce_min3A_389 = vector.multi_reduction <minimumf>, %select_n3A_387, %reduce_min3A_388 [1] : vector<1024x1024xf32> to vector<1024xf32>
      %broadcast_in_dim3A_390 = vector.shape_cast %reduce_min3A_389 : vector<1024xf32> to vector<1024x1xf32>
      %gt3A_391 = vector.broadcast %broadcast_in_dim3A_390 : vector<1024x1xf32> to vector<1024x1024xf32>
      %gt3A_392 = arith.cmpf ogt, %select_n3A_320, %gt3A_391 : vector<1024x1024xf32>
      %broadcast_in_dim3A_393 = vector.broadcast %while3A_48 : f32 to vector<1024x1024xf32>
      %select_n3A_394 = arith.select %gt3A_392, %select_n3A_320, %broadcast_in_dim3A_393 : vector<1024x1024xi1>, vector<1024x1024xf32>
      %reduce_min3A_395 = arith.constant dense<0x7F800000> : vector<1024xf32>
      %reduce_min3A_396 = vector.multi_reduction <minimumf>, %select_n3A_394, %reduce_min3A_395 [1] : vector<1024x1024xf32> to vector<1024xf32>
      %broadcast_in_dim3A_397 = vector.shape_cast %reduce_min3A_396 : vector<1024xf32> to vector<1024x1xf32>
      %gt3A_398 = vector.broadcast %broadcast_in_dim3A_397 : vector<1024x1xf32> to vector<1024x1024xf32>
      %gt3A_399 = arith.cmpf ogt, %select_n3A_320, %gt3A_398 : vector<1024x1024xf32>
      %broadcast_in_dim3A_400 = vector.broadcast %while3A_48 : f32 to vector<1024x1024xf32>
      %select_n3A_401 = arith.select %gt3A_399, %select_n3A_320, %broadcast_in_dim3A_400 : vector<1024x1024xi1>, vector<1024x1024xf32>
      %reduce_min3A_402 = arith.constant dense<0x7F800000> : vector<1024xf32>
      %reduce_min3A_403 = vector.multi_reduction <minimumf>, %select_n3A_401, %reduce_min3A_402 [1] : vector<1024x1024xf32> to vector<1024xf32>
      %broadcast_in_dim3A_404 = vector.shape_cast %reduce_min3A_403 : vector<1024xf32> to vector<1024x1xf32>
      %gt3A_405 = vector.broadcast %broadcast_in_dim3A_404 : vector<1024x1xf32> to vector<1024x1024xf32>
      %gt3A_406 = arith.cmpf ogt, %select_n3A_320, %gt3A_405 : vector<1024x1024xf32>
      %broadcast_in_dim3A_407 = vector.broadcast %while3A_48 : f32 to vector<1024x1024xf32>
      %select_n3A_408 = arith.select %gt3A_406, %select_n3A_320, %broadcast_in_dim3A_407 : vector<1024x1024xi1>, vector<1024x1024xf32>
      %reduce_min3A_409 = arith.constant dense<0x7F800000> : vector<1024xf32>
      %reduce_min3A_410 = vector.multi_reduction <minimumf>, %select_n3A_408, %reduce_min3A_409 [1] : vector<1024x1024xf32> to vector<1024xf32>
      %broadcast_in_dim3A_411 = vector.shape_cast %reduce_min3A_410 : vector<1024xf32> to vector<1024x1xf32>
      %gt3A_412 = vector.broadcast %broadcast_in_dim3A_411 : vector<1024x1xf32> to vector<1024x1024xf32>
      %gt3A_413 = arith.cmpf ogt, %select_n3A_320, %gt3A_412 : vector<1024x1024xf32>
      %broadcast_in_dim3A_414 = vector.broadcast %while3A_48 : f32 to vector<1024x1024xf32>
      %select_n3A_415 = arith.select %gt3A_413, %select_n3A_320, %broadcast_in_dim3A_414 : vector<1024x1024xi1>, vector<1024x1024xf32>
      %reduce_min3A_416 = arith.constant dense<0x7F800000> : vector<1024xf32>
      %reduce_min3A_417 = vector.multi_reduction <minimumf>, %select_n3A_415, %reduce_min3A_416 [1] : vector<1024x1024xf32> to vector<1024xf32>
      %broadcast_in_dim3A_418 = vector.shape_cast %reduce_min3A_417 : vector<1024xf32> to vector<1024x1xf32>
      %gt3A_419 = vector.broadcast %broadcast_in_dim3A_418 : vector<1024x1xf32> to vector<1024x1024xf32>
      %gt3A_420 = arith.cmpf ogt, %select_n3A_320, %gt3A_419 : vector<1024x1024xf32>
      %broadcast_in_dim3A_421 = vector.broadcast %while3A_48 : f32 to vector<1024x1024xf32>
      %select_n3A_422 = arith.select %gt3A_420, %select_n3A_320, %broadcast_in_dim3A_421 : vector<1024x1024xi1>, vector<1024x1024xf32>
      %reduce_min3A_423 = arith.constant dense<0x7F800000> : vector<1024xf32>
      %reduce_min3A_424 = vector.multi_reduction <minimumf>, %select_n3A_422, %reduce_min3A_423 [1] : vector<1024x1024xf32> to vector<1024xf32>
      %broadcast_in_dim3A_425 = vector.shape_cast %reduce_min3A_424 : vector<1024xf32> to vector<1024x1xf32>
      %gt3A_426 = vector.broadcast %broadcast_in_dim3A_425 : vector<1024x1xf32> to vector<1024x1024xf32>
      %gt3A_427 = arith.cmpf ogt, %select_n3A_320, %gt3A_426 : vector<1024x1024xf32>
      %broadcast_in_dim3A_428 = vector.broadcast %while3A_48 : f32 to vector<1024x1024xf32>
      %select_n3A_429 = arith.select %gt3A_427, %select_n3A_320, %broadcast_in_dim3A_428 : vector<1024x1024xi1>, vector<1024x1024xf32>
      %reduce_min3A_430 = arith.constant dense<0x7F800000> : vector<1024xf32>
      %reduce_min3A_431 = vector.multi_reduction <minimumf>, %select_n3A_429, %reduce_min3A_430 [1] : vector<1024x1024xf32> to vector<1024xf32>
      %broadcast_in_dim3A_432 = vector.shape_cast %reduce_min3A_431 : vector<1024xf32> to vector<1024x1xf32>
      %min3A = arith.minimumf %while3A_266, %broadcast_in_dim3A_432 : vector<1024x1xf32>
      %min3A_433 = arith.minimumf %while3A_267, %broadcast_in_dim3A_425 : vector<1024x1xf32>
      %min3A_434 = arith.minimumf %while3A_268, %broadcast_in_dim3A_418 : vector<1024x1xf32>
      %min3A_435 = arith.minimumf %while3A_269, %broadcast_in_dim3A_411 : vector<1024x1xf32>
      %min3A_436 = arith.minimumf %while3A_270, %broadcast_in_dim3A_404 : vector<1024x1xf32>
      %min3A_437 = arith.minimumf %while3A_271, %broadcast_in_dim3A_397 : vector<1024x1xf32>
      %min3A_438 = arith.minimumf %while3A_272, %broadcast_in_dim3A_390 : vector<1024x1xf32>
      %min3A_439 = arith.minimumf %while3A_273, %broadcast_in_dim3A_383 : vector<1024x1xf32>
      %min3A_440 = arith.minimumf %while3A_274, %broadcast_in_dim3A_376 : vector<1024x1xf32>
      %min3A_441 = arith.minimumf %while3A_275, %broadcast_in_dim3A_369 : vector<1024x1xf32>
      %min3A_442 = arith.minimumf %while3A_276, %broadcast_in_dim3A_362 : vector<1024x1xf32>
      %min3A_443 = arith.minimumf %while3A_277, %broadcast_in_dim3A_355 : vector<1024x1xf32>
      %min3A_444 = arith.minimumf %while3A_278, %broadcast_in_dim3A_348 : vector<1024x1xf32>
      %min3A_445 = arith.minimumf %while3A_279, %broadcast_in_dim3A_341 : vector<1024x1xf32>
      %min3A_446 = arith.minimumf %while3A_280, %broadcast_in_dim3A_334 : vector<1024x1xf32>
      %min3A_447 = arith.minimumf %while3A_281, %broadcast_in_dim3A_327 : vector<1024x1xf32>
      %min3A_448 = arith.minimumf %min3A, %min3A_440 : vector<1024x1xf32>
      %max3A = arith.maximumf %min3A, %min3A_440 : vector<1024x1xf32>
      %min3A_449 = arith.minimumf %min3A_433, %min3A_441 : vector<1024x1xf32>
      %max3A_450 = arith.maximumf %min3A_433, %min3A_441 : vector<1024x1xf32>
      %min3A_451 = arith.minimumf %min3A_434, %min3A_442 : vector<1024x1xf32>
      %max3A_452 = arith.maximumf %min3A_434, %min3A_442 : vector<1024x1xf32>
      %min3A_453 = arith.minimumf %min3A_435, %min3A_443 : vector<1024x1xf32>
      %max3A_454 = arith.maximumf %min3A_435, %min3A_443 : vector<1024x1xf32>
      %min3A_455 = arith.minimumf %min3A_436, %min3A_444 : vector<1024x1xf32>
      %max3A_456 = arith.maximumf %min3A_436, %min3A_444 : vector<1024x1xf32>
      %min3A_457 = arith.minimumf %min3A_437, %min3A_445 : vector<1024x1xf32>
      %max3A_458 = arith.maximumf %min3A_437, %min3A_445 : vector<1024x1xf32>
      %min3A_459 = arith.minimumf %min3A_438, %min3A_446 : vector<1024x1xf32>
      %max3A_460 = arith.maximumf %min3A_438, %min3A_446 : vector<1024x1xf32>
      %min3A_461 = arith.minimumf %min3A_439, %min3A_447 : vector<1024x1xf32>
      %max3A_462 = arith.maximumf %min3A_439, %min3A_447 : vector<1024x1xf32>
      %min3A_463 = arith.minimumf %min3A_448, %min3A_455 : vector<1024x1xf32>
      %max3A_464 = arith.maximumf %min3A_448, %min3A_455 : vector<1024x1xf32>
      %min3A_465 = arith.minimumf %min3A_449, %min3A_457 : vector<1024x1xf32>
      %max3A_466 = arith.maximumf %min3A_449, %min3A_457 : vector<1024x1xf32>
      %min3A_467 = arith.minimumf %min3A_451, %min3A_459 : vector<1024x1xf32>
      %max3A_468 = arith.maximumf %min3A_451, %min3A_459 : vector<1024x1xf32>
      %min3A_469 = arith.minimumf %min3A_453, %min3A_461 : vector<1024x1xf32>
      %max3A_470 = arith.maximumf %min3A_453, %min3A_461 : vector<1024x1xf32>
      %min3A_471 = arith.minimumf %max3A, %max3A_456 : vector<1024x1xf32>
      %max3A_472 = arith.maximumf %max3A, %max3A_456 : vector<1024x1xf32>
      %min3A_473 = arith.minimumf %max3A_450, %max3A_458 : vector<1024x1xf32>
      %max3A_474 = arith.maximumf %max3A_450, %max3A_458 : vector<1024x1xf32>
      %min3A_475 = arith.minimumf %max3A_452, %max3A_460 : vector<1024x1xf32>
      %max3A_476 = arith.maximumf %max3A_452, %max3A_460 : vector<1024x1xf32>
      %min3A_477 = arith.minimumf %max3A_454, %max3A_462 : vector<1024x1xf32>
      %max3A_478 = arith.maximumf %max3A_454, %max3A_462 : vector<1024x1xf32>
      %min3A_479 = arith.minimumf %min3A_463, %min3A_467 : vector<1024x1xf32>
      %max3A_480 = arith.maximumf %min3A_463, %min3A_467 : vector<1024x1xf32>
      %min3A_481 = arith.minimumf %min3A_465, %min3A_469 : vector<1024x1xf32>
      %max3A_482 = arith.maximumf %min3A_465, %min3A_469 : vector<1024x1xf32>
      %min3A_483 = arith.minimumf %max3A_464, %max3A_468 : vector<1024x1xf32>
      %max3A_484 = arith.maximumf %max3A_464, %max3A_468 : vector<1024x1xf32>
      %min3A_485 = arith.minimumf %max3A_466, %max3A_470 : vector<1024x1xf32>
      %max3A_486 = arith.maximumf %max3A_466, %max3A_470 : vector<1024x1xf32>
      %min3A_487 = arith.minimumf %min3A_471, %min3A_475 : vector<1024x1xf32>
      %max3A_488 = arith.maximumf %min3A_471, %min3A_475 : vector<1024x1xf32>
      %min3A_489 = arith.minimumf %min3A_473, %min3A_477 : vector<1024x1xf32>
      %max3A_490 = arith.maximumf %min3A_473, %min3A_477 : vector<1024x1xf32>
      %min3A_491 = arith.minimumf %max3A_472, %max3A_476 : vector<1024x1xf32>
      %max3A_492 = arith.maximumf %max3A_472, %max3A_476 : vector<1024x1xf32>
      %min3A_493 = arith.minimumf %max3A_474, %max3A_478 : vector<1024x1xf32>
      %max3A_494 = arith.maximumf %max3A_474, %max3A_478 : vector<1024x1xf32>
      %min3A_495 = arith.minimumf %min3A_479, %min3A_481 : vector<1024x1xf32>
      %max3A_496 = arith.maximumf %min3A_479, %min3A_481 : vector<1024x1xf32>
      %min3A_497 = arith.minimumf %max3A_480, %max3A_482 : vector<1024x1xf32>
      %max3A_498 = arith.maximumf %max3A_480, %max3A_482 : vector<1024x1xf32>
      %min3A_499 = arith.minimumf %min3A_483, %min3A_485 : vector<1024x1xf32>
      %max3A_500 = arith.maximumf %min3A_483, %min3A_485 : vector<1024x1xf32>
      %min3A_501 = arith.minimumf %max3A_484, %max3A_486 : vector<1024x1xf32>
      %max3A_502 = arith.maximumf %max3A_484, %max3A_486 : vector<1024x1xf32>
      %min3A_503 = arith.minimumf %min3A_487, %min3A_489 : vector<1024x1xf32>
      %max3A_504 = arith.maximumf %min3A_487, %min3A_489 : vector<1024x1xf32>
      %min3A_505 = arith.minimumf %max3A_488, %max3A_490 : vector<1024x1xf32>
      %max3A_506 = arith.maximumf %max3A_488, %max3A_490 : vector<1024x1xf32>
      %min3A_507 = arith.minimumf %min3A_491, %min3A_493 : vector<1024x1xf32>
      %max3A_508 = arith.maximumf %min3A_491, %min3A_493 : vector<1024x1xf32>
      %min3A_509 = arith.minimumf %max3A_492, %max3A_494 : vector<1024x1xf32>
      %max3A_510 = arith.maximumf %max3A_492, %max3A_494 : vector<1024x1xf32>
      scf.yield %min3A_495, %max3A_496, %min3A_497, %max3A_498, %min3A_499, %max3A_500, %min3A_501, %max3A_502, %min3A_503, %max3A_504, %min3A_505, %max3A_506, %min3A_507, %max3A_508, %min3A_509, %max3A_510 : vector<1024x1xf32>, vector<1024x1xf32>, vector<1024x1xf32>, vector<1024x1xf32>, vector<1024x1xf32>, vector<1024x1xf32>, vector<1024x1xf32>, vector<1024x1xf32>, vector<1024x1xf32>, vector<1024x1xf32>, vector<1024x1xf32>, vector<1024x1xf32>, vector<1024x1xf32>, vector<1024x1xf32>, vector<1024x1xf32>, vector<1024x1xf32>
    }
    %mul3A_59 = arith.constant 8192 : i32
    %mul3A_60 = arith.muli %arg0, %mul3A_59 : i32
    %lt3A = arith.constant 8.192000e+03 : f32
    %lt3A_61 = vector.broadcast %lt3A : f32 to vector<1024x1xf32>
    %lt3A_62 = arith.cmpf olt, %while3A_58#0, %lt3A_61 : vector<1024x1xf32>
    %select_n3A = arith.select %lt3A_62, %while3A_58#0, %while3A_58#0 : vector<1024x1xi1>, vector<1024x1xf32>
    %convert_element_type3A = arith.fptosi %select_n3A : vector<1024x1xf32> to vector<1024x1xi32>
    %add3A_63 = vector.broadcast %mul3A_60 : i32 to vector<1024x1xi32>
    %add3A_64 = arith.addi %convert_element_type3A, %add3A_63 : vector<1024x1xi32>
    %swap3A = arith.constant 0 : index
    %swap3A_65 = arith.constant 0 : index
    %swap3A_66 = arith.constant 0 : index
    %swap3A_67 = vector.load %arg6[%swap3A, %swap3A_65, %swap3A_66] : memref<1x1024x16xi32, #tpu.memory_space<vmem>>, vector<1x1024x1xi32>
    %swap3A_68 = vector.shape_cast %swap3A_67 : vector<1x1024x1xi32> to vector<1024x1xi32>
    %swap3A_69 = vector.shape_cast %add3A_64 : vector<1024x1xi32> to vector<1x1024x1xi32>
    tpu.vector_store %arg6[%swap3A, %swap3A_65, %swap3A_66], %swap3A_69 {strides = array<i32>} : memref<1x1024x16xi32, #tpu.memory_space<vmem>>, vector<1x1024x1xi32>,
    %lt3A_70 = arith.constant 8.192000e+03 : f32
    %lt3A_71 = vector.broadcast %lt3A_70 : f32 to vector<1024x1xf32>
    %lt3A_72 = arith.cmpf olt, %while3A_58#1, %lt3A_71 : vector<1024x1xf32>
    %select_n3A_73 = arith.select %lt3A_72, %while3A_58#1, %while3A_58#0 : vector<1024x1xi1>, vector<1024x1xf32>
    %convert_element_type3A_74 = arith.fptosi %select_n3A_73 : vector<1024x1xf32> to vector<1024x1xi32>
    %add3A_75 = vector.broadcast %mul3A_60 : i32 to vector<1024x1xi32>
    %add3A_76 = arith.addi %convert_element_type3A_74, %add3A_75 : vector<1024x1xi32>
    %swap3A_77 = arith.constant 0 : index
    %swap3A_78 = arith.constant 0 : index
    %swap3A_79 = arith.constant 1 : index
    %swap3A_80 = vector.load %arg6[%swap3A_77, %swap3A_78, %swap3A_79] : memref<1x1024x16xi32, #tpu.memory_space<vmem>>, vector<1x1024x1xi32>
    %swap3A_81 = vector.shape_cast %swap3A_80 : vector<1x1024x1xi32> to vector<1024x1xi32>
    %swap3A_82 = vector.shape_cast %add3A_76 : vector<1024x1xi32> to vector<1x1024x1xi32>
    tpu.vector_store %arg6[%swap3A_77, %swap3A_78, %swap3A_79], %swap3A_82 {strides = array<i32>} : memref<1x1024x16xi32, #tpu.memory_space<vmem>>, vector<1x1024x1xi32>,
    %lt3A_83 = arith.constant 8.192000e+03 : f32
    %lt3A_84 = vector.broadcast %lt3A_83 : f32 to vector<1024x1xf32>
    %lt3A_85 = arith.cmpf olt, %while3A_58#2, %lt3A_84 : vector<1024x1xf32>
    %select_n3A_86 = arith.select %lt3A_85, %while3A_58#2, %while3A_58#0 : vector<1024x1xi1>, vector<1024x1xf32>
    %convert_element_type3A_87 = arith.fptosi %select_n3A_86 : vector<1024x1xf32> to vector<1024x1xi32>
    %add3A_88 = vector.broadcast %mul3A_60 : i32 to vector<1024x1xi32>
    %add3A_89 = arith.addi %convert_element_type3A_87, %add3A_88 : vector<1024x1xi32>
    %swap3A_90 = arith.constant 0 : index
    %swap3A_91 = arith.constant 0 : index
    %swap3A_92 = arith.constant 2 : index
    %swap3A_93 = vector.load %arg6[%swap3A_90, %swap3A_91, %swap3A_92] : memref<1x1024x16xi32, #tpu.memory_space<vmem>>, vector<1x1024x1xi32>
    %swap3A_94 = vector.shape_cast %swap3A_93 : vector<1x1024x1xi32> to vector<1024x1xi32>
    %swap3A_95 = vector.shape_cast %add3A_89 : vector<1024x1xi32> to vector<1x1024x1xi32>
    tpu.vector_store %arg6[%swap3A_90, %swap3A_91, %swap3A_92], %swap3A_95 {strides = array<i32>} : memref<1x1024x16xi32, #tpu.memory_space<vmem>>, vector<1x1024x1xi32>,
    %lt3A_96 = arith.constant 8.192000e+03 : f32
    %lt3A_97 = vector.broadcast %lt3A_96 : f32 to vector<1024x1xf32>
    %lt3A_98 = arith.cmpf olt, %while3A_58#3, %lt3A_97 : vector<1024x1xf32>
    %select_n3A_99 = arith.select %lt3A_98, %while3A_58#3, %while3A_58#0 : vector<1024x1xi1>, vector<1024x1xf32>
    %convert_element_type3A_100 = arith.fptosi %select_n3A_99 : vector<1024x1xf32> to vector<1024x1xi32>
    %add3A_101 = vector.broadcast %mul3A_60 : i32 to vector<1024x1xi32>
    %add3A_102 = arith.addi %convert_element_type3A_100, %add3A_101 : vector<1024x1xi32>
    %swap3A_103 = arith.constant 0 : index
    %swap3A_104 = arith.constant 0 : index
    %swap3A_105 = arith.constant 3 : index
    %swap3A_106 = vector.load %arg6[%swap3A_103, %swap3A_104, %swap3A_105] : memref<1x1024x16xi32, #tpu.memory_space<vmem>>, vector<1x1024x1xi32>
    %swap3A_107 = vector.shape_cast %swap3A_106 : vector<1x1024x1xi32> to vector<1024x1xi32>
    %swap3A_108 = vector.shape_cast %add3A_102 : vector<1024x1xi32> to vector<1x1024x1xi32>
    tpu.vector_store %arg6[%swap3A_103, %swap3A_104, %swap3A_105], %swap3A_108 {strides = array<i32>} : memref<1x1024x16xi32, #tpu.memory_space<vmem>>, vector<1x1024x1xi32>,
    %lt3A_109 = arith.constant 8.192000e+03 : f32
    %lt3A_110 = vector.broadcast %lt3A_109 : f32 to vector<1024x1xf32>
    %lt3A_111 = arith.cmpf olt, %while3A_58#4, %lt3A_110 : vector<1024x1xf32>
    %select_n3A_112 = arith.select %lt3A_111, %while3A_58#4, %while3A_58#0 : vector<1024x1xi1>, vector<1024x1xf32>
    %convert_element_type3A_113 = arith.fptosi %select_n3A_112 : vector<1024x1xf32> to vector<1024x1xi32>
    %add3A_114 = vector.broadcast %mul3A_60 : i32 to vector<1024x1xi32>
    %add3A_115 = arith.addi %convert_element_type3A_113, %add3A_114 : vector<1024x1xi32>
    %swap3A_116 = arith.constant 0 : index
    %swap3A_117 = arith.constant 0 : index
    %swap3A_118 = arith.constant 4 : index
    %swap3A_119 = vector.load %arg6[%swap3A_116, %swap3A_117, %swap3A_118] : memref<1x1024x16xi32, #tpu.memory_space<vmem>>, vector<1x1024x1xi32>
    %swap3A_120 = vector.shape_cast %swap3A_119 : vector<1x1024x1xi32> to vector<1024x1xi32>
    %swap3A_121 = vector.shape_cast %add3A_115 : vector<1024x1xi32> to vector<1x1024x1xi32>
    tpu.vector_store %arg6[%swap3A_116, %swap3A_117, %swap3A_118], %swap3A_121 {strides = array<i32>} : memref<1x1024x16xi32, #tpu.memory_space<vmem>>, vector<1x1024x1xi32>,
    %lt3A_122 = arith.constant 8.192000e+03 : f32
    %lt3A_123 = vector.broadcast %lt3A_122 : f32 to vector<1024x1xf32>
    %lt3A_124 = arith.cmpf olt, %while3A_58#5, %lt3A_123 : vector<1024x1xf32>
    %select_n3A_125 = arith.select %lt3A_124, %while3A_58#5, %while3A_58#0 : vector<1024x1xi1>, vector<1024x1xf32>
    %convert_element_type3A_126 = arith.fptosi %select_n3A_125 : vector<1024x1xf32> to vector<1024x1xi32>
    %add3A_127 = vector.broadcast %mul3A_60 : i32 to vector<1024x1xi32>
    %add3A_128 = arith.addi %convert_element_type3A_126, %add3A_127 : vector<1024x1xi32>
    %swap3A_129 = arith.constant 0 : index
    %swap3A_130 = arith.constant 0 : index
    %swap3A_131 = arith.constant 5 : index
    %swap3A_132 = vector.load %arg6[%swap3A_129, %swap3A_130, %swap3A_131] : memref<1x1024x16xi32, #tpu.memory_space<vmem>>, vector<1x1024x1xi32>
    %swap3A_133 = vector.shape_cast %swap3A_132 : vector<1x1024x1xi32> to vector<1024x1xi32>
    %swap3A_134 = vector.shape_cast %add3A_128 : vector<1024x1xi32> to vector<1x1024x1xi32>
    tpu.vector_store %arg6[%swap3A_129, %swap3A_130, %swap3A_131], %swap3A_134 {strides = array<i32>} : memref<1x1024x16xi32, #tpu.memory_space<vmem>>, vector<1x1024x1xi32>,
    %lt3A_135 = arith.constant 8.192000e+03 : f32
    %lt3A_136 = vector.broadcast %lt3A_135 : f32 to vector<1024x1xf32>
    %lt3A_137 = arith.cmpf olt, %while3A_58#6, %lt3A_136 : vector<1024x1xf32>
    %select_n3A_138 = arith.select %lt3A_137, %while3A_58#6, %while3A_58#0 : vector<1024x1xi1>, vector<1024x1xf32>
    %convert_element_type3A_139 = arith.fptosi %select_n3A_138 : vector<1024x1xf32> to vector<1024x1xi32>
    %add3A_140 = vector.broadcast %mul3A_60 : i32 to vector<1024x1xi32>
    %add3A_141 = arith.addi %convert_element_type3A_139, %add3A_140 : vector<1024x1xi32>
    %swap3A_142 = arith.constant 0 : index
    %swap3A_143 = arith.constant 0 : index
    %swap3A_144 = arith.constant 6 : index
    %swap3A_145 = vector.load %arg6[%swap3A_142, %swap3A_143, %swap3A_144] : memref<1x1024x16xi32, #tpu.memory_space<vmem>>, vector<1x1024x1xi32>
    %swap3A_146 = vector.shape_cast %swap3A_145 : vector<1x1024x1xi32> to vector<1024x1xi32>
    %swap3A_147 = vector.shape_cast %add3A_141 : vector<1024x1xi32> to vector<1x1024x1xi32>
    tpu.vector_store %arg6[%swap3A_142, %swap3A_143, %swap3A_144], %swap3A_147 {strides = array<i32>} : memref<1x1024x16xi32, #tpu.memory_space<vmem>>, vector<1x1024x1xi32>,
    %lt3A_148 = arith.constant 8.192000e+03 : f32
    %lt3A_149 = vector.broadcast %lt3A_148 : f32 to vector<1024x1xf32>
    %lt3A_150 = arith.cmpf olt, %while3A_58#7, %lt3A_149 : vector<1024x1xf32>
    %select_n3A_151 = arith.select %lt3A_150, %while3A_58#7, %while3A_58#0 : vector<1024x1xi1>, vector<1024x1xf32>
    %convert_element_type3A_152 = arith.fptosi %select_n3A_151 : vector<1024x1xf32> to vector<1024x1xi32>
    %add3A_153 = vector.broadcast %mul3A_60 : i32 to vector<1024x1xi32>
    %add3A_154 = arith.addi %convert_element_type3A_152, %add3A_153 : vector<1024x1xi32>
    %swap3A_155 = arith.constant 0 : index
    %swap3A_156 = arith.constant 0 : index
    %swap3A_157 = arith.constant 7 : index
    %swap3A_158 = vector.load %arg6[%swap3A_155, %swap3A_156, %swap3A_157] : memref<1x1024x16xi32, #tpu.memory_space<vmem>>, vector<1x1024x1xi32>
    %swap3A_159 = vector.shape_cast %swap3A_158 : vector<1x1024x1xi32> to vector<1024x1xi32>
    %swap3A_160 = vector.shape_cast %add3A_154 : vector<1024x1xi32> to vector<1x1024x1xi32>
    tpu.vector_store %arg6[%swap3A_155, %swap3A_156, %swap3A_157], %swap3A_160 {strides = array<i32>} : memref<1x1024x16xi32, #tpu.memory_space<vmem>>, vector<1x1024x1xi32>,
    %lt3A_161 = arith.constant 8.192000e+03 : f32
    %lt3A_162 = vector.broadcast %lt3A_161 : f32 to vector<1024x1xf32>
    %lt3A_163 = arith.cmpf olt, %while3A_58#8, %lt3A_162 : vector<1024x1xf32>
    %select_n3A_164 = arith.select %lt3A_163, %while3A_58#8, %while3A_58#0 : vector<1024x1xi1>, vector<1024x1xf32>
    %convert_element_type3A_165 = arith.fptosi %select_n3A_164 : vector<1024x1xf32> to vector<1024x1xi32>
    %add3A_166 = vector.broadcast %mul3A_60 : i32 to vector<1024x1xi32>
    %add3A_167 = arith.addi %convert_element_type3A_165, %add3A_166 : vector<1024x1xi32>
    %swap3A_168 = arith.constant 0 : index
    %swap3A_169 = arith.constant 0 : index
    %swap3A_170 = arith.constant 8 : index
    %swap3A_171 = vector.load %arg6[%swap3A_168, %swap3A_169, %swap3A_170] : memref<1x1024x16xi32, #tpu.memory_space<vmem>>, vector<1x1024x1xi32>
    %swap3A_172 = vector.shape_cast %swap3A_171 : vector<1x1024x1xi32> to vector<1024x1xi32>
    %swap3A_173 = vector.shape_cast %add3A_167 : vector<1024x1xi32> to vector<1x1024x1xi32>
    tpu.vector_store %arg6[%swap3A_168, %swap3A_169, %swap3A_170], %swap3A_173 {strides = array<i32>} : memref<1x1024x16xi32, #tpu.memory_space<vmem>>, vector<1x1024x1xi32>,
    %lt3A_174 = arith.constant 8.192000e+03 : f32
    %lt3A_175 = vector.broadcast %lt3A_174 : f32 to vector<1024x1xf32>
    %lt3A_176 = arith.cmpf olt, %while3A_58#9, %lt3A_175 : vector<1024x1xf32>
    %select_n3A_177 = arith.select %lt3A_176, %while3A_58#9, %while3A_58#0 : vector<1024x1xi1>, vector<1024x1xf32>
    %convert_element_type3A_178 = arith.fptosi %select_n3A_177 : vector<1024x1xf32> to vector<1024x1xi32>
    %add3A_179 = vector.broadcast %mul3A_60 : i32 to vector<1024x1xi32>
    %add3A_180 = arith.addi %convert_element_type3A_178, %add3A_179 : vector<1024x1xi32>
    %swap3A_181 = arith.constant 0 : index
    %swap3A_182 = arith.constant 0 : index
    %swap3A_183 = arith.constant 9 : index
    %swap3A_184 = vector.load %arg6[%swap3A_181, %swap3A_182, %swap3A_183] : memref<1x1024x16xi32, #tpu.memory_space<vmem>>, vector<1x1024x1xi32>
    %swap3A_185 = vector.shape_cast %swap3A_184 : vector<1x1024x1xi32> to vector<1024x1xi32>
    %swap3A_186 = vector.shape_cast %add3A_180 : vector<1024x1xi32> to vector<1x1024x1xi32>
    tpu.vector_store %arg6[%swap3A_181, %swap3A_182, %swap3A_183], %swap3A_186 {strides = array<i32>} : memref<1x1024x16xi32, #tpu.memory_space<vmem>>, vector<1x1024x1xi32>,
    %lt3A_187 = arith.constant 8.192000e+03 : f32
    %lt3A_188 = vector.broadcast %lt3A_187 : f32 to vector<1024x1xf32>
    %lt3A_189 = arith.cmpf olt, %while3A_58#10, %lt3A_188 : vector<1024x1xf32>
    %select_n3A_190 = arith.select %lt3A_189, %while3A_58#10, %while3A_58#0 : vector<1024x1xi1>, vector<1024x1xf32>
    %convert_element_type3A_191 = arith.fptosi %select_n3A_190 : vector<1024x1xf32> to vector<1024x1xi32>
    %add3A_192 = vector.broadcast %mul3A_60 : i32 to vector<1024x1xi32>
    %add3A_193 = arith.addi %convert_element_type3A_191, %add3A_192 : vector<1024x1xi32>
    %swap3A_194 = arith.constant 0 : index
    %swap3A_195 = arith.constant 0 : index
    %swap3A_196 = arith.constant 10 : index
    %swap3A_197 = vector.load %arg6[%swap3A_194, %swap3A_195, %swap3A_196] : memref<1x1024x16xi32, #tpu.memory_space<vmem>>, vector<1x1024x1xi32>
    %swap3A_198 = vector.shape_cast %swap3A_197 : vector<1x1024x1xi32> to vector<1024x1xi32>
    %swap3A_199 = vector.shape_cast %add3A_193 : vector<1024x1xi32> to vector<1x1024x1xi32>
    tpu.vector_store %arg6[%swap3A_194, %swap3A_195, %swap3A_196], %swap3A_199 {strides = array<i32>} : memref<1x1024x16xi32, #tpu.memory_space<vmem>>, vector<1x1024x1xi32>,
    %lt3A_200 = arith.constant 8.192000e+03 : f32
    %lt3A_201 = vector.broadcast %lt3A_200 : f32 to vector<1024x1xf32>
    %lt3A_202 = arith.cmpf olt, %while3A_58#11, %lt3A_201 : vector<1024x1xf32>
    %select_n3A_203 = arith.select %lt3A_202, %while3A_58#11, %while3A_58#0 : vector<1024x1xi1>, vector<1024x1xf32>
    %convert_element_type3A_204 = arith.fptosi %select_n3A_203 : vector<1024x1xf32> to vector<1024x1xi32>
    %add3A_205 = vector.broadcast %mul3A_60 : i32 to vector<1024x1xi32>
    %add3A_206 = arith.addi %convert_element_type3A_204, %add3A_205 : vector<1024x1xi32>
    %swap3A_207 = arith.constant 0 : index
    %swap3A_208 = arith.constant 0 : index
    %swap3A_209 = arith.constant 11 : index
    %swap3A_210 = vector.load %arg6[%swap3A_207, %swap3A_208, %swap3A_209] : memref<1x1024x16xi32, #tpu.memory_space<vmem>>, vector<1x1024x1xi32>
    %swap3A_211 = vector.shape_cast %swap3A_210 : vector<1x1024x1xi32> to vector<1024x1xi32>
    %swap3A_212 = vector.shape_cast %add3A_206 : vector<1024x1xi32> to vector<1x1024x1xi32>
    tpu.vector_store %arg6[%swap3A_207, %swap3A_208, %swap3A_209], %swap3A_212 {strides = array<i32>} : memref<1x1024x16xi32, #tpu.memory_space<vmem>>, vector<1x1024x1xi32>,
    %lt3A_213 = arith.constant 8.192000e+03 : f32
    %lt3A_214 = vector.broadcast %lt3A_213 : f32 to vector<1024x1xf32>
    %lt3A_215 = arith.cmpf olt, %while3A_58#12, %lt3A_214 : vector<1024x1xf32>
    %select_n3A_216 = arith.select %lt3A_215, %while3A_58#12, %while3A_58#0 : vector<1024x1xi1>, vector<1024x1xf32>
    %convert_element_type3A_217 = arith.fptosi %select_n3A_216 : vector<1024x1xf32> to vector<1024x1xi32>
    %add3A_218 = vector.broadcast %mul3A_60 : i32 to vector<1024x1xi32>
    %add3A_219 = arith.addi %convert_element_type3A_217, %add3A_218 : vector<1024x1xi32>
    %swap3A_220 = arith.constant 0 : index
    %swap3A_221 = arith.constant 0 : index
    %swap3A_222 = arith.constant 12 : index
    %swap3A_223 = vector.load %arg6[%swap3A_220, %swap3A_221, %swap3A_222] : memref<1x1024x16xi32, #tpu.memory_space<vmem>>, vector<1x1024x1xi32>
    %swap3A_224 = vector.shape_cast %swap3A_223 : vector<1x1024x1xi32> to vector<1024x1xi32>
    %swap3A_225 = vector.shape_cast %add3A_219 : vector<1024x1xi32> to vector<1x1024x1xi32>
    tpu.vector_store %arg6[%swap3A_220, %swap3A_221, %swap3A_222], %swap3A_225 {strides = array<i32>} : memref<1x1024x16xi32, #tpu.memory_space<vmem>>, vector<1x1024x1xi32>,
    %lt3A_226 = arith.constant 8.192000e+03 : f32
    %lt3A_227 = vector.broadcast %lt3A_226 : f32 to vector<1024x1xf32>
    %lt3A_228 = arith.cmpf olt, %while3A_58#13, %lt3A_227 : vector<1024x1xf32>
    %select_n3A_229 = arith.select %lt3A_228, %while3A_58#13, %while3A_58#0 : vector<1024x1xi1>, vector<1024x1xf32>
    %convert_element_type3A_230 = arith.fptosi %select_n3A_229 : vector<1024x1xf32> to vector<1024x1xi32>
    %add3A_231 = vector.broadcast %mul3A_60 : i32 to vector<1024x1xi32>
    %add3A_232 = arith.addi %convert_element_type3A_230, %add3A_231 : vector<1024x1xi32>
    %swap3A_233 = arith.constant 0 : index
    %swap3A_234 = arith.constant 0 : index
    %swap3A_235 = arith.constant 13 : index
    %swap3A_236 = vector.load %arg6[%swap3A_233, %swap3A_234, %swap3A_235] : memref<1x1024x16xi32, #tpu.memory_space<vmem>>, vector<1x1024x1xi32>
    %swap3A_237 = vector.shape_cast %swap3A_236 : vector<1x1024x1xi32> to vector<1024x1xi32>
    %swap3A_238 = vector.shape_cast %add3A_232 : vector<1024x1xi32> to vector<1x1024x1xi32>
    tpu.vector_store %arg6[%swap3A_233, %swap3A_234, %swap3A_235], %swap3A_238 {strides = array<i32>} : memref<1x1024x16xi32, #tpu.memory_space<vmem>>, vector<1x1024x1xi32>,
    %lt3A_239 = arith.constant 8.192000e+03 : f32
    %lt3A_240 = vector.broadcast %lt3A_239 : f32 to vector<1024x1xf32>
    %lt3A_241 = arith.cmpf olt, %while3A_58#14, %lt3A_240 : vector<1024x1xf32>
    %select_n3A_242 = arith.select %lt3A_241, %while3A_58#14, %while3A_58#0 : vector<1024x1xi1>, vector<1024x1xf32>
    %convert_element_type3A_243 = arith.fptosi %select_n3A_242 : vector<1024x1xf32> to vector<1024x1xi32>
    %add3A_244 = vector.broadcast %mul3A_60 : i32 to vector<1024x1xi32>
    %add3A_245 = arith.addi %convert_element_type3A_243, %add3A_244 : vector<1024x1xi32>
    %swap3A_246 = arith.constant 0 : index
    %swap3A_247 = arith.constant 0 : index
    %swap3A_248 = arith.constant 14 : index
    %swap3A_249 = vector.load %arg6[%swap3A_246, %swap3A_247, %swap3A_248] : memref<1x1024x16xi32, #tpu.memory_space<vmem>>, vector<1x1024x1xi32>
    %swap3A_250 = vector.shape_cast %swap3A_249 : vector<1x1024x1xi32> to vector<1024x1xi32>
    %swap3A_251 = vector.shape_cast %add3A_245 : vector<1024x1xi32> to vector<1x1024x1xi32>
    tpu.vector_store %arg6[%swap3A_246, %swap3A_247, %swap3A_248], %swap3A_251 {strides = array<i32>} : memref<1x1024x16xi32, #tpu.memory_space<vmem>>, vector<1x1024x1xi32>,
    %lt3A_252 = arith.constant 8.192000e+03 : f32
    %lt3A_253 = vector.broadcast %lt3A_252 : f32 to vector<1024x1xf32>
    %lt3A_254 = arith.cmpf olt, %while3A_58#15, %lt3A_253 : vector<1024x1xf32>
    %select_n3A_255 = arith.select %lt3A_254, %while3A_58#15, %while3A_58#0 : vector<1024x1xi1>, vector<1024x1xf32>
    %convert_element_type3A_256 = arith.fptosi %select_n3A_255 : vector<1024x1xf32> to vector<1024x1xi32>
    %add3A_257 = vector.broadcast %mul3A_60 : i32 to vector<1024x1xi32>
    %add3A_258 = arith.addi %convert_element_type3A_256, %add3A_257 : vector<1024x1xi32>
    %swap3A_259 = arith.constant 0 : index
    %swap3A_260 = arith.constant 0 : index
    %swap3A_261 = arith.constant 15 : index
    %swap3A_262 = vector.load %arg6[%swap3A_259, %swap3A_260, %swap3A_261] : memref<1x1024x16xi32, #tpu.memory_space<vmem>>, vector<1x1024x1xi32>
    %swap3A_263 = vector.shape_cast %swap3A_262 : vector<1x1024x1xi32> to vector<1024x1xi32>
    %swap3A_264 = vector.shape_cast %add3A_258 : vector<1024x1xi32> to vector<1x1024x1xi32>
    tpu.vector_store %arg6[%swap3A_259, %swap3A_260, %swap3A_261], %swap3A_264 {strides = array<i32>} : memref<1x1024x16xi32, #tpu.memory_space<vmem>>, vector<1x1024x1xi32>,
    return
  }
  func.func @transform_0(%arg0: i32, %arg1: i32) -> i32 {
    %c0_i32 = arith.constant 0 : i32
    %c0_i32_0 = arith.constant 0 : i32
    return %c0_i32 : i32
  }
  func.func @transform_1(%arg0: i32, %arg1: i32) -> i32 {
    %c0_i32 = arith.constant 0 : i32
    %c0_i32_0 = arith.constant 0 : i32
    return %c0_i32 : i32
  }
  func.func @transform_2(%arg0: i32, %arg1: i32) -> (i32, i32, i32) {
    %c0_i32 = arith.constant 0 : i32
    %c0_i32_0 = arith.constant 0 : i32
    %c0_i32_1 = arith.constant 0 : i32
    return %arg0, %c0_i32, %c0_i32_0 : i32, i32, i32
  }
  func.func @transform_3(%arg0: i32, %arg1: i32) -> (i32, i32, i32) {
    %c0_i32 = arith.constant 0 : i32
    %c0_i32_0 = arith.constant 0 : i32
    %c0_i32_1 = arith.constant 0 : i32
    return %arg0, %c0_i32, %c0_i32_0 : i32, i32, i32
  }
  func.func @transform_4(%arg0: i32, %arg1: i32) -> (i32, i32, i32) {
    %c0_i32 = arith.constant 0 : i32
    %c0_i32_0 = arith.constant 0 : i32
    return %arg0, %arg1, %c0_i32 : i32, i32, i32
  }
}

module attributes {stable_mosaic.version = 14 : i64} {
  func.func @_k1_body(%arg0: i32, %arg1: i32, %arg2: memref<1x1024x3xf32, #tpu.memory_space<vmem>>, %arg3: memref<1x1024x3xf32, #tpu.memory_space<vmem>>, %arg4: memref<1x1024x128xf32, #tpu.memory_space<vmem>>, %arg5: memref<3x128xf32, #tpu.memory_space<vmem>>, %arg6: memref<128x128xf32, #tpu.memory_space<vmem>>, %arg7: memref<1x1024x128xf32, #tpu.memory_space<vmem>>, %arg8: memref<1x1024x128xf32, #tpu.memory_space<vmem>>) attributes {dimension_semantics = [#tpu.dimension_semantics<arbitrary>, #tpu.dimension_semantics<arbitrary>], iteration_bounds = array<i64: 2, 8>, scalar_prefetch = 0 : i64, scratch_operands = 0 : i64, tpu.core_type = #tpu.core_type<tc>, window_params = [{transform_indices = @transform_0, window_bounds = array<i64: 1, 1024, 3>}, {transform_indices = @transform_1, window_bounds = array<i64: 1, 1024, 3>}, {transform_indices = @transform_2, window_bounds = array<i64: 1, 1024, 128>}, {pipeline_mode = #tpu.pipeline_mode<synchronous>, transform_indices = @transform_3, window_bounds = array<i64: 3, 128>}, {pipeline_mode = #tpu.pipeline_mode<synchronous>, transform_indices = @transform_4, window_bounds = array<i64: 128, 128>}, {transform_indices = @transform_5, window_bounds = array<i64: 1, 1024, 128>}, {transform_indices = @transform_6, window_bounds = array<i64: 1, 1024, 128>}]} {
    %get3A = arith.constant 0 : index
    %get3A_0 = arith.constant 0 : index
    %get3A_1 = arith.constant 0 : index
    %get3A_2 = vector.load %arg2[%get3A, %get3A_0, %get3A_1] : memref<1x1024x3xf32, #tpu.memory_space<vmem>>, vector<1x1024x3xf32>
    %get3A_3 = vector.shape_cast %get3A_2 : vector<1x1024x3xf32> to vector<1024x3xf32>
    %get3A_4 = arith.constant 0 : index
    %get3A_5 = arith.constant 0 : index
    %get3A_6 = arith.constant 0 : index
    %get3A_7 = vector.load %arg3[%get3A_4, %get3A_5, %get3A_6] : memref<1x1024x3xf32, #tpu.memory_space<vmem>>, vector<1x1024x3xf32>
    %get3A_8 = vector.shape_cast %get3A_7 : vector<1x1024x3xf32> to vector<1024x3xf32>
    %get3A_9 = arith.constant 0 : index
    %get3A_10 = arith.constant 0 : index
    %get3A_11 = arith.constant 0 : index
    %get3A_12 = vector.load %arg4[%get3A_9, %get3A_10, %get3A_11] : memref<1x1024x128xf32, #tpu.memory_space<vmem>>, vector<1x1024x128xf32>
    %get3A_13 = vector.shape_cast %get3A_12 : vector<1x1024x128xf32> to vector<1024x128xf32>
    %get3A_14 = arith.constant 0 : index
    %get3A_15 = arith.constant 0 : index
    %get3A_16 = vector.load %arg5[%get3A_14, %get3A_15] : memref<3x128xf32, #tpu.memory_space<vmem>>, vector<3x128xf32>
    %dot_general3A = arith.constant dense<0.000000e+00> : vector<1024x128xf32>
    %dot_general3A_17 = tpu.matmul %get3A_3, %get3A_16, %dot_general3A {dimension_numbers = #tpu.dot_dimension_numbers<[1], [0], [0], [1], [0, 0, 1, 1], [], []>, transpose_lhs_hint = false} : vector<1024x3xf32>, vector<3x128xf32>, vector<1024x128xf32> -> vector<1024x128xf32>
    %get3A_18 = arith.constant 0 : index
    %get3A_19 = arith.constant 0 : index
    %get3A_20 = vector.load %arg6[%get3A_18, %get3A_19] : memref<128x128xf32, #tpu.memory_space<vmem>>, vector<128x128xf32>
    %dot_general3A_21 = arith.constant dense<0.000000e+00> : vector<1024x128xf32>
    %dot_general3A_22 = tpu.matmul %get3A_13, %get3A_20, %dot_general3A_21 {dimension_numbers = #tpu.dot_dimension_numbers<[1], [0], [0], [1], [0, 0, 1, 1], [], []>, transpose_lhs_hint = false} : vector<1024x128xf32>, vector<128x128xf32>, vector<1024x128xf32> -> vector<1024x128xf32>
    %add3A = arith.addf %dot_general3A_17, %dot_general3A_22 : vector<1024x128xf32>
    %swap3A = arith.constant 0 : index
    %swap3A_23 = arith.constant 0 : index
    %swap3A_24 = arith.constant 0 : index
    %swap3A_25 = vector.load %arg7[%swap3A, %swap3A_23, %swap3A_24] : memref<1x1024x128xf32, #tpu.memory_space<vmem>>, vector<1x1024x128xf32>
    %swap3A_26 = vector.shape_cast %swap3A_25 : vector<1x1024x128xf32> to vector<1024x128xf32>
    %swap3A_27 = vector.shape_cast %add3A : vector<1024x128xf32> to vector<1x1024x128xf32>
    tpu.vector_store %arg7[%swap3A, %swap3A_23, %swap3A_24], %swap3A_27 {strides = array<i32>} : memref<1x1024x128xf32, #tpu.memory_space<vmem>>, vector<1x1024x128xf32>,
    %get3A_28 = arith.constant 0 : index
    %get3A_29 = arith.constant 0 : index
    %get3A_30 = vector.load %arg5[%get3A_28, %get3A_29] : memref<3x128xf32, #tpu.memory_space<vmem>>, vector<3x128xf32>
    %dot_general3A_31 = arith.constant dense<0.000000e+00> : vector<1024x128xf32>
    %dot_general3A_32 = tpu.matmul %get3A_8, %get3A_30, %dot_general3A_31 {dimension_numbers = #tpu.dot_dimension_numbers<[1], [0], [0], [1], [0, 0, 1, 1], [], []>, transpose_lhs_hint = false} : vector<1024x3xf32>, vector<3x128xf32>, vector<1024x128xf32> -> vector<1024x128xf32>
    %swap3A_33 = arith.constant 0 : index
    %swap3A_34 = arith.constant 0 : index
    %swap3A_35 = arith.constant 0 : index
    %swap3A_36 = vector.load %arg8[%swap3A_33, %swap3A_34, %swap3A_35] : memref<1x1024x128xf32, #tpu.memory_space<vmem>>, vector<1x1024x128xf32>
    %swap3A_37 = vector.shape_cast %swap3A_36 : vector<1x1024x128xf32> to vector<1024x128xf32>
    %swap3A_38 = vector.shape_cast %dot_general3A_32 : vector<1024x128xf32> to vector<1x1024x128xf32>
    tpu.vector_store %arg8[%swap3A_33, %swap3A_34, %swap3A_35], %swap3A_38 {strides = array<i32>} : memref<1x1024x128xf32, #tpu.memory_space<vmem>>, vector<1x1024x128xf32>,
    return
  }
  func.func @transform_0(%arg0: i32, %arg1: i32) -> (i32, i32, i32) {
    %c0_i32 = arith.constant 0 : i32
    %c0_i32_0 = arith.constant 0 : i32
    return %arg0, %arg1, %c0_i32 : i32, i32, i32
  }
  func.func @transform_1(%arg0: i32, %arg1: i32) -> (i32, i32, i32) {
    %c0_i32 = arith.constant 0 : i32
    %c0_i32_0 = arith.constant 0 : i32
    return %arg0, %arg1, %c0_i32 : i32, i32, i32
  }
  func.func @transform_2(%arg0: i32, %arg1: i32) -> (i32, i32, i32) {
    %c0_i32 = arith.constant 0 : i32
    %c0_i32_0 = arith.constant 0 : i32
    return %arg0, %arg1, %c0_i32 : i32, i32, i32
  }
  func.func @transform_3(%arg0: i32, %arg1: i32) -> (i32, i32) {
    %c0_i32 = arith.constant 0 : i32
    %c0_i32_0 = arith.constant 0 : i32
    %c0_i32_1 = arith.constant 0 : i32
    return %c0_i32, %c0_i32_0 : i32, i32
  }
  func.func @transform_4(%arg0: i32, %arg1: i32) -> (i32, i32) {
    %c0_i32 = arith.constant 0 : i32
    %c0_i32_0 = arith.constant 0 : i32
    %c0_i32_1 = arith.constant 0 : i32
    return %c0_i32, %c0_i32_0 : i32, i32
  }
  func.func @transform_5(%arg0: i32, %arg1: i32) -> (i32, i32, i32) {
    %c0_i32 = arith.constant 0 : i32
    %c0_i32_0 = arith.constant 0 : i32
    return %arg0, %arg1, %c0_i32 : i32, i32, i32
  }
  func.func @transform_6(%arg0: i32, %arg1: i32) -> (i32, i32, i32) {
    %c0_i32 = arith.constant 0 : i32
    %c0_i32_0 = arith.constant 0 : i32
    return %arg0, %arg1, %c0_i32 : i32, i32, i32
  }
}

module attributes {stable_mosaic.version = 14 : i64} {
  func.func @_k3_body(%arg0: i32, %arg1: i32, %arg2: memref<1x512x16x128xf32, #tpu.memory_space<vmem>>, %arg3: memref<1x512x128xf32, #tpu.memory_space<vmem>>, %arg4: memref<1x512x128xf32, #tpu.memory_space<vmem>>, %arg5: memref<1x1x128xf32, #tpu.memory_space<vmem>>, %arg6: memref<1x1x128xf32, #tpu.memory_space<vmem>>) attributes {dimension_semantics = [#tpu.dimension_semantics<arbitrary>, #tpu.dimension_semantics<arbitrary>], iteration_bounds = array<i64: 2, 16>, scalar_prefetch = 0 : i64, scratch_operands = 0 : i64, tpu.core_type = #tpu.core_type<tc>, window_params = [{transform_indices = @transform_0, window_bounds = array<i64: 1, 512, 16, 128>}, {transform_indices = @transform_1, window_bounds = array<i64: 1, 512, 128>}, {transform_indices = @transform_2, window_bounds = array<i64: 1, 512, 128>}, {transform_indices = @transform_3, window_bounds = array<i64: 1, 1, 128>}, {transform_indices = @transform_4, window_bounds = array<i64: 1, 1, 128>}]} {
    %get3A = arith.constant 0 : index
    %get3A_0 = arith.constant 0 : index
    %get3A_1 = arith.constant 0 : index
    %get3A_2 = arith.constant 0 : index
    %get3A_3 = vector.load %arg2[%get3A, %get3A_0, %get3A_1, %get3A_2] : memref<1x512x16x128xf32, #tpu.memory_space<vmem>>, vector<1x512x16x128xf32>
    %get3A_4 = vector.shape_cast %get3A_3 : vector<1x512x16x128xf32> to vector<512x16x128xf32>
    %get3A_5 = arith.constant 0 : index
    %get3A_6 = arith.constant 0 : index
    %get3A_7 = arith.constant 0 : index
    %get3A_8 = vector.load %arg3[%get3A_5, %get3A_6, %get3A_7] : memref<1x512x128xf32, #tpu.memory_space<vmem>>, vector<1x512x128xf32>
    %get3A_9 = vector.shape_cast %get3A_8 : vector<1x512x128xf32> to vector<512x128xf32>
    %reduce_max3A = arith.constant dense<0xFF800000> : vector<512x128xf32>
    %reduce_max3A_10 = vector.multi_reduction <maximumf>, %get3A_4, %reduce_max3A [1] : vector<512x16x128xf32> to vector<512x128xf32>
    %reduce_sum3A = arith.constant dense<0.000000e+00> : vector<512x128xf32>
    %reduce_sum3A_11 = vector.multi_reduction <add>, %get3A_4, %reduce_sum3A [1] : vector<512x16x128xf32> to vector<512x128xf32>
    %mul3A = arith.mulf %get3A_4, %get3A_4 : vector<512x16x128xf32>
    %reduce_sum3A_12 = arith.constant dense<0.000000e+00> : vector<512x128xf32>
    %reduce_sum3A_13 = vector.multi_reduction <add>, %mul3A, %reduce_sum3A_12 [1] : vector<512x16x128xf32> to vector<512x128xf32>
    %sub3A = arith.subf %reduce_max3A_10, %get3A_9 : vector<512x128xf32>
    %swap3A = arith.constant 0 : index
    %swap3A_14 = arith.constant 0 : index
    %swap3A_15 = arith.constant 0 : index
    %swap3A_16 = vector.load %arg4[%swap3A, %swap3A_14, %swap3A_15] : memref<1x512x128xf32, #tpu.memory_space<vmem>>, vector<1x512x128xf32>
    %swap3A_17 = vector.shape_cast %swap3A_16 : vector<1x512x128xf32> to vector<512x128xf32>
    %swap3A_18 = vector.shape_cast %sub3A : vector<512x128xf32> to vector<1x512x128xf32>
    tpu.vector_store %arg4[%swap3A, %swap3A_14, %swap3A_15], %swap3A_18 {strides = array<i32>} : memref<1x512x128xf32, #tpu.memory_space<vmem>>, vector<1x512x128xf32>,
    %mul3A_19 = arith.constant 1.600000e+01 : f32
    %mul3A_20 = vector.broadcast %mul3A_19 : f32 to vector<512x128xf32>
    %mul3A_21 = arith.mulf %mul3A_20, %get3A_9 : vector<512x128xf32>
    %sub3A_22 = arith.subf %reduce_sum3A_11, %mul3A_21 : vector<512x128xf32>
    %reduce_sum3A_23 = arith.constant dense<0.000000e+00> : vector<128xf32>
    %reduce_sum3A_24 = vector.multi_reduction <add>, %sub3A_22, %reduce_sum3A_23 [0] : vector<512x128xf32> to vector<128xf32>
    %broadcast_in_dim3A = vector.shape_cast %reduce_sum3A_24 : vector<128xf32> to vector<1x128xf32>
    %swap3A_25 = arith.constant 0 : index
    %swap3A_26 = arith.constant 0 : index
    %swap3A_27 = arith.constant 0 : index
    %swap3A_28 = vector.load %arg5[%swap3A_25, %swap3A_26, %swap3A_27] : memref<1x1x128xf32, #tpu.memory_space<vmem>>, vector<1x1x128xf32>
    %swap3A_29 = vector.shape_cast %swap3A_28 : vector<1x1x128xf32> to vector<1x128xf32>
    %swap3A_30 = vector.shape_cast %broadcast_in_dim3A : vector<1x128xf32> to vector<1x1x128xf32>
    tpu.vector_store %arg5[%swap3A_25, %swap3A_26, %swap3A_27], %swap3A_30 {strides = array<i32>} : memref<1x1x128xf32, #tpu.memory_space<vmem>>, vector<1x1x128xf32>,
    %mul3A_31 = arith.constant 2.000000e+00 : f32
    %mul3A_32 = vector.broadcast %mul3A_31 : f32 to vector<512x128xf32>
    %mul3A_33 = arith.mulf %mul3A_32, %get3A_9 : vector<512x128xf32>
    %mul3A_34 = arith.mulf %mul3A_33, %reduce_sum3A_11 : vector<512x128xf32>
    %sub3A_35 = arith.subf %reduce_sum3A_13, %mul3A_34 : vector<512x128xf32>
    %mul3A_36 = arith.constant 1.600000e+01 : f32
    %mul3A_37 = vector.broadcast %mul3A_36 : f32 to vector<512x128xf32>
    %mul3A_38 = arith.mulf %mul3A_37, %get3A_9 : vector<512x128xf32>
    %mul3A_39 = arith.mulf %mul3A_38, %get3A_9 : vector<512x128xf32>
    %add3A = arith.addf %sub3A_35, %mul3A_39 : vector<512x128xf32>
    %reduce_sum3A_40 = arith.constant dense<0.000000e+00> : vector<128xf32>
    %reduce_sum3A_41 = vector.multi_reduction <add>, %add3A, %reduce_sum3A_40 [0] : vector<512x128xf32> to vector<128xf32>
    %broadcast_in_dim3A_42 = vector.shape_cast %reduce_sum3A_41 : vector<128xf32> to vector<1x128xf32>
    %swap3A_43 = arith.constant 0 : index
    %swap3A_44 = arith.constant 0 : index
    %swap3A_45 = arith.constant 0 : index
    %swap3A_46 = vector.load %arg6[%swap3A_43, %swap3A_44, %swap3A_45] : memref<1x1x128xf32, #tpu.memory_space<vmem>>, vector<1x1x128xf32>
    %swap3A_47 = vector.shape_cast %swap3A_46 : vector<1x1x128xf32> to vector<1x128xf32>
    %swap3A_48 = vector.shape_cast %broadcast_in_dim3A_42 : vector<1x128xf32> to vector<1x1x128xf32>
    tpu.vector_store %arg6[%swap3A_43, %swap3A_44, %swap3A_45], %swap3A_48 {strides = array<i32>} : memref<1x1x128xf32, #tpu.memory_space<vmem>>, vector<1x1x128xf32>,
    return
  }
  func.func @transform_0(%arg0: i32, %arg1: i32) -> (i32, i32, i32, i32) {
    %c0_i32 = arith.constant 0 : i32
    %c0_i32_0 = arith.constant 0 : i32
    %c0_i32_1 = arith.constant 0 : i32
    return %arg0, %arg1, %c0_i32, %c0_i32_0 : i32, i32, i32, i32
  }
  func.func @transform_1(%arg0: i32, %arg1: i32) -> (i32, i32, i32) {
    %c0_i32 = arith.constant 0 : i32
    %c0_i32_0 = arith.constant 0 : i32
    return %arg0, %arg1, %c0_i32 : i32, i32, i32
  }
  func.func @transform_2(%arg0: i32, %arg1: i32) -> (i32, i32, i32) {
    %c0_i32 = arith.constant 0 : i32
    %c0_i32_0 = arith.constant 0 : i32
    return %arg0, %arg1, %c0_i32 : i32, i32, i32
  }
  func.func @transform_3(%arg0: i32, %arg1: i32) -> (i32, i32, i32) {
    %mul3A = arith.constant 16 : i32
    %mul3A_0 = arith.muli %arg0, %mul3A : i32
    %add3A = arith.addi %mul3A_0, %arg1 : i32
    %c0_i32 = arith.constant 0 : i32
    %c0_i32_1 = arith.constant 0 : i32
    %c0_i32_2 = arith.constant 0 : i32
    return %add3A, %c0_i32, %c0_i32_1 : i32, i32, i32
  }
  func.func @transform_4(%arg0: i32, %arg1: i32) -> (i32, i32, i32) {
    %mul3A = arith.constant 16 : i32
    %mul3A_0 = arith.muli %arg0, %mul3A : i32
    %add3A = arith.addi %mul3A_0, %arg1 : i32
    %c0_i32 = arith.constant 0 : i32
    %c0_i32_1 = arith.constant 0 : i32
    %c0_i32_2 = arith.constant 0 : i32
    return %add3A, %c0_i32, %c0_i32_1 : i32, i32, i32
  }
}

module attributes {stable_mosaic.version = 14 : i64} {
  func.func @_k456_body(%arg0: memref<16384x128xf32, #tpu.memory_space<vmem>>, %arg1: memref<16384x128xf32, #tpu.memory_space<vmem>>, %arg2: memref<32x128xf32, #tpu.memory_space<vmem>>, %arg3: memref<32x128xf32, #tpu.memory_space<vmem>>, %arg4: memref<128x128xf32, #tpu.memory_space<vmem>>, %arg5: memref<128x128xf32, #tpu.memory_space<vmem>>, %arg6: memref<1x128xf32, #tpu.memory_space<vmem>>, %arg7: memref<1x128xf32, #tpu.memory_space<vmem>>, %arg8: memref<1x128xf32, #tpu.memory_space<vmem>>, %arg9: memref<1x128xf32, #tpu.memory_space<vmem>>, %arg10: memref<1x128xf32, #tpu.memory_space<vmem>>, %arg11: memref<1x128xf32, #tpu.memory_space<vmem>>, %arg12: memref<16384x128xf32, #tpu.memory_space<vmem>>) attributes {dimension_semantics = [], scalar_prefetch = 0 : i64, scratch_operands = 0 : i64, tpu.core_type = #tpu.core_type<tc>} {
    %get3A = arith.constant 0 : index
    %get3A_0 = arith.constant 0 : index
    %get3A_1 = vector.load %arg0[%get3A, %get3A_0] : memref<16384x128xf32, #tpu.memory_space<vmem>>, vector<16384x128xf32>
    %get3A_2 = arith.constant 0 : index
    %get3A_3 = arith.constant 0 : index
    %get3A_4 = vector.load %arg1[%get3A_2, %get3A_3] : memref<16384x128xf32, #tpu.memory_space<vmem>>, vector<16384x128xf32>
    %get3A_5 = arith.constant 0 : index
    %get3A_6 = arith.constant 0 : index
    %get3A_7 = vector.load %arg2[%get3A_5, %get3A_6] : memref<32x128xf32, #tpu.memory_space<vmem>>, vector<32x128xf32>
    %reduce_sum3A = arith.constant dense<0.000000e+00> : vector<128xf32>
    %reduce_sum3A_8 = vector.multi_reduction <add>, %get3A_7, %reduce_sum3A [0] : vector<32x128xf32> to vector<128xf32>
    %broadcast_in_dim3A = vector.shape_cast %reduce_sum3A_8 : vector<128xf32> to vector<1x128xf32>
    %div3A = arith.constant 2.621440e+05 : f32
    %div3A_9 = vector.broadcast %div3A : f32 to vector<1x128xf32>
    %div3A_10 = arith.divf %broadcast_in_dim3A, %div3A_9 : vector<1x128xf32>
    %get3A_11 = arith.constant 0 : index
    %get3A_12 = arith.constant 0 : index
    %get3A_13 = vector.load %arg3[%get3A_11, %get3A_12] : memref<32x128xf32, #tpu.memory_space<vmem>>, vector<32x128xf32>
    %reduce_sum3A_14 = arith.constant dense<0.000000e+00> : vector<128xf32>
    %reduce_sum3A_15 = vector.multi_reduction <add>, %get3A_13, %reduce_sum3A_14 [0] : vector<32x128xf32> to vector<128xf32>
    %broadcast_in_dim3A_16 = vector.shape_cast %reduce_sum3A_15 : vector<128xf32> to vector<1x128xf32>
    %div3A_17 = arith.constant 2.621440e+05 : f32
    %div3A_18 = vector.broadcast %div3A_17 : f32 to vector<1x128xf32>
    %div3A_19 = arith.divf %broadcast_in_dim3A_16, %div3A_18 : vector<1x128xf32>
    %mul3A = arith.mulf %div3A_10, %div3A_10 : vector<1x128xf32>
    %sub3A = arith.subf %div3A_19, %mul3A : vector<1x128xf32>
    %get3A_20 = arith.constant 0 : index
    %get3A_21 = arith.constant 0 : index
    %get3A_22 = vector.load %arg6[%get3A_20, %get3A_21] : memref<1x128xf32, #tpu.memory_space<vmem>>, vector<1x128xf32>
    %add3A = arith.constant 9.99999974E-6 : f32
    %add3A_23 = vector.broadcast %add3A : f32 to vector<1x128xf32>
    %add3A_24 = arith.addf %sub3A, %add3A_23 : vector<1x128xf32>
    %rsqrt3A = math.rsqrt %add3A_24 : vector<1x128xf32>
    %mul3A_25 = arith.mulf %get3A_22, %rsqrt3A : vector<1x128xf32>
    %sub3A_26 = vector.broadcast %div3A_10 : vector<1x128xf32> to vector<16384x128xf32>
    %sub3A_27 = arith.subf %get3A_1, %sub3A_26 : vector<16384x128xf32>
    %mul3A_28 = vector.broadcast %mul3A_25 : vector<1x128xf32> to vector<16384x128xf32>
    %mul3A_29 = arith.mulf %sub3A_27, %mul3A_28 : vector<16384x128xf32>
    %get3A_30 = arith.constant 0 : index
    %get3A_31 = arith.constant 0 : index
    %get3A_32 = vector.load %arg7[%get3A_30, %get3A_31] : memref<1x128xf32, #tpu.memory_space<vmem>>, vector<1x128xf32>
    %add3A_33 = vector.broadcast %get3A_32 : vector<1x128xf32> to vector<16384x128xf32>
    %add3A_34 = arith.addf %mul3A_29, %add3A_33 : vector<16384x128xf32>
    %max3A = arith.constant 0.000000e+00 : f32
    %max3A_35 = vector.broadcast %max3A : f32 to vector<16384x128xf32>
    %max3A_36 = arith.maximumf %add3A_34, %max3A_35 : vector<16384x128xf32>
    %get3A_37 = arith.constant 0 : index
    %get3A_38 = arith.constant 0 : index
    %get3A_39 = vector.load %arg4[%get3A_37, %get3A_38] : memref<128x128xf32, #tpu.memory_space<vmem>>, vector<128x128xf32>
    %dot_general3A = arith.constant dense<0.000000e+00> : vector<16384x128xf32>
    %dot_general3A_40 = tpu.matmul %max3A_36, %get3A_39, %dot_general3A {dimension_numbers = #tpu.dot_dimension_numbers<[1], [0], [0], [1], [0, 0, 1, 1], [], []>, transpose_lhs_hint = false} : vector<16384x128xf32>, vector<128x128xf32>, vector<16384x128xf32> -> vector<16384x128xf32>
    %reduce_sum3A_41 = arith.constant dense<0.000000e+00> : vector<128xf32>
    %reduce_sum3A_42 = vector.multi_reduction <add>, %dot_general3A_40, %reduce_sum3A_41 [0] : vector<16384x128xf32> to vector<128xf32>
    %broadcast_in_dim3A_43 = vector.shape_cast %reduce_sum3A_42 : vector<128xf32> to vector<1x128xf32>
    %div3A_44 = arith.constant 1.638400e+04 : f32
    %div3A_45 = vector.broadcast %div3A_44 : f32 to vector<1x128xf32>
    %div3A_46 = arith.divf %broadcast_in_dim3A_43, %div3A_45 : vector<1x128xf32>
    %mul3A_47 = arith.mulf %dot_general3A_40, %dot_general3A_40 : vector<16384x128xf32>
    %reduce_sum3A_48 = arith.constant dense<0.000000e+00> : vector<128xf32>
    %reduce_sum3A_49 = vector.multi_reduction <add>, %mul3A_47, %reduce_sum3A_48 [0] : vector<16384x128xf32> to vector<128xf32>
    %broadcast_in_dim3A_50 = vector.shape_cast %reduce_sum3A_49 : vector<128xf32> to vector<1x128xf32>
    %div3A_51 = arith.constant 1.638400e+04 : f32
    %div3A_52 = vector.broadcast %div3A_51 : f32 to vector<1x128xf32>
    %div3A_53 = arith.divf %broadcast_in_dim3A_50, %div3A_52 : vector<1x128xf32>
    %mul3A_54 = arith.mulf %div3A_46, %div3A_46 : vector<1x128xf32>
    %sub3A_55 = arith.subf %div3A_53, %mul3A_54 : vector<1x128xf32>
    %get3A_56 = arith.constant 0 : index
    %get3A_57 = arith.constant 0 : index
    %get3A_58 = vector.load %arg8[%get3A_56, %get3A_57] : memref<1x128xf32, #tpu.memory_space<vmem>>, vector<1x128xf32>
    %add3A_59 = arith.constant 9.99999974E-6 : f32
    %add3A_60 = vector.broadcast %add3A_59 : f32 to vector<1x128xf32>
    %add3A_61 = arith.addf %sub3A_55, %add3A_60 : vector<1x128xf32>
    %rsqrt3A_62 = math.rsqrt %add3A_61 : vector<1x128xf32>
    %mul3A_63 = arith.mulf %get3A_58, %rsqrt3A_62 : vector<1x128xf32>
    %sub3A_64 = vector.broadcast %div3A_46 : vector<1x128xf32> to vector<16384x128xf32>
    %sub3A_65 = arith.subf %dot_general3A_40, %sub3A_64 : vector<16384x128xf32>
    %mul3A_66 = vector.broadcast %mul3A_63 : vector<1x128xf32> to vector<16384x128xf32>
    %mul3A_67 = arith.mulf %sub3A_65, %mul3A_66 : vector<16384x128xf32>
    %get3A_68 = arith.constant 0 : index
    %get3A_69 = arith.constant 0 : index
    %get3A_70 = vector.load %arg9[%get3A_68, %get3A_69] : memref<1x128xf32, #tpu.memory_space<vmem>>, vector<1x128xf32>
    %add3A_71 = vector.broadcast %get3A_70 : vector<1x128xf32> to vector<16384x128xf32>
    %add3A_72 = arith.addf %mul3A_67, %add3A_71 : vector<16384x128xf32>
    %max3A_73 = arith.constant 0.000000e+00 : f32
    %max3A_74 = vector.broadcast %max3A_73 : f32 to vector<16384x128xf32>
    %max3A_75 = arith.maximumf %add3A_72, %max3A_74 : vector<16384x128xf32>
    %get3A_76 = arith.constant 0 : index
    %get3A_77 = arith.constant 0 : index
    %get3A_78 = vector.load %arg5[%get3A_76, %get3A_77] : memref<128x128xf32, #tpu.memory_space<vmem>>, vector<128x128xf32>
    %dot_general3A_79 = arith.constant dense<0.000000e+00> : vector<16384x128xf32>
    %dot_general3A_80 = tpu.matmul %max3A_75, %get3A_78, %dot_general3A_79 {dimension_numbers = #tpu.dot_dimension_numbers<[1], [0], [0], [1], [0, 0, 1, 1], [], []>, transpose_lhs_hint = false} : vector<16384x128xf32>, vector<128x128xf32>, vector<16384x128xf32> -> vector<16384x128xf32>
    %reduce_sum3A_81 = arith.constant dense<0.000000e+00> : vector<128xf32>
    %reduce_sum3A_82 = vector.multi_reduction <add>, %dot_general3A_80, %reduce_sum3A_81 [0] : vector<16384x128xf32> to vector<128xf32>
    %broadcast_in_dim3A_83 = vector.shape_cast %reduce_sum3A_82 : vector<128xf32> to vector<1x128xf32>
    %div3A_84 = arith.constant 1.638400e+04 : f32
    %div3A_85 = vector.broadcast %div3A_84 : f32 to vector<1x128xf32>
    %div3A_86 = arith.divf %broadcast_in_dim3A_83, %div3A_85 : vector<1x128xf32>
    %mul3A_87 = arith.mulf %dot_general3A_80, %dot_general3A_80 : vector<16384x128xf32>
    %reduce_sum3A_88 = arith.constant dense<0.000000e+00> : vector<128xf32>
    %reduce_sum3A_89 = vector.multi_reduction <add>, %mul3A_87, %reduce_sum3A_88 [0] : vector<16384x128xf32> to vector<128xf32>
    %broadcast_in_dim3A_90 = vector.shape_cast %reduce_sum3A_89 : vector<128xf32> to vector<1x128xf32>
    %div3A_91 = arith.constant 1.638400e+04 : f32
    %div3A_92 = vector.broadcast %div3A_91 : f32 to vector<1x128xf32>
    %div3A_93 = arith.divf %broadcast_in_dim3A_90, %div3A_92 : vector<1x128xf32>
    %mul3A_94 = arith.mulf %div3A_86, %div3A_86 : vector<1x128xf32>
    %sub3A_95 = arith.subf %div3A_93, %mul3A_94 : vector<1x128xf32>
    %get3A_96 = arith.constant 0 : index
    %get3A_97 = arith.constant 0 : index
    %get3A_98 = vector.load %arg10[%get3A_96, %get3A_97] : memref<1x128xf32, #tpu.memory_space<vmem>>, vector<1x128xf32>
    %add3A_99 = arith.constant 9.99999974E-6 : f32
    %add3A_100 = vector.broadcast %add3A_99 : f32 to vector<1x128xf32>
    %add3A_101 = arith.addf %sub3A_95, %add3A_100 : vector<1x128xf32>
    %rsqrt3A_102 = math.rsqrt %add3A_101 : vector<1x128xf32>
    %mul3A_103 = arith.mulf %get3A_98, %rsqrt3A_102 : vector<1x128xf32>
    %sub3A_104 = vector.broadcast %div3A_86 : vector<1x128xf32> to vector<16384x128xf32>
    %sub3A_105 = arith.subf %dot_general3A_80, %sub3A_104 : vector<16384x128xf32>
    %mul3A_106 = vector.broadcast %mul3A_103 : vector<1x128xf32> to vector<16384x128xf32>
    %mul3A_107 = arith.mulf %sub3A_105, %mul3A_106 : vector<16384x128xf32>
    %get3A_108 = arith.constant 0 : index
    %get3A_109 = arith.constant 0 : index
    %get3A_110 = vector.load %arg11[%get3A_108, %get3A_109] : memref<1x128xf32, #tpu.memory_space<vmem>>, vector<1x128xf32>
    %add3A_111 = vector.broadcast %get3A_110 : vector<1x128xf32> to vector<16384x128xf32>
    %add3A_112 = arith.addf %mul3A_107, %add3A_111 : vector<16384x128xf32>
    %add3A_113 = arith.addf %add3A_112, %get3A_4 : vector<16384x128xf32>
    %max3A_114 = arith.constant 0.000000e+00 : f32
    %max3A_115 = vector.broadcast %max3A_114 : f32 to vector<16384x128xf32>
    %max3A_116 = arith.maximumf %add3A_113, %max3A_115 : vector<16384x128xf32>
    %swap3A = arith.constant 0 : index
    %swap3A_117 = arith.constant 0 : index
    %swap3A_118 = vector.load %arg12[%swap3A, %swap3A_117] : memref<16384x128xf32, #tpu.memory_space<vmem>>, vector<16384x128xf32>
    tpu.vector_store %arg12[%swap3A, %swap3A_117], %max3A_116 {strides = array<i32>} : memref<16384x128xf32, #tpu.memory_space<vmem>>, vector<16384x128xf32>,
    return
  }
}

</mosaic_0001>

<sc_bundles>
// kernel: kernel.10.cloned.1.call-start
scs
__scs_entry_jumppad:
0x0: {  	(pc) =	sbr.rel $0x88, $3  }
0x1: {  	(tag) =	ssettag $0x0;
	lr =	simm.s32 $0x1  }
0x2: {  	[smem:$0x3F96] =	sst lr;
	_ =	strace $0xD0000000  }
0x3: {  	_ = 	snop  }
0x4: {  	_ = 	snop  }
0x5: {  	_ = 	snop  }
0x6: {  	_ = 	snop  }
0x7: {  	_ = 	snop  }
__scs_overlays_trampoline_lowered:
0x8: {  	[smem:$0x3FA5] =	sst s0  }
0x9: {  	[smem:$0x3FA6] =	sst s1  }
0xa: {  	[smem:$0x3FA7] =	sst s2  }
0xb: {  	[smem:$0x3FA8] =	sst s3  }
0xc: {  	[smem:$0x3FA9] =	sst s4  }
0xd: {  	[smem:$0x3FAA] =	sst s5  }
0xe: {  	[smem:$0x3FAB] =	sst s6  }
0xf: {  	[smem:$0x3FAC] =	sst s7  }
0x10: {  	[smem:$0x3FAD] =	sst s8  }
0x11: {  	[smem:$0x3FAE] =	sst s9;
	s0 =	simm.s32 @!p0 $0x0  }
0x12: {  	s1 =	sld [smem:$0x3F94];
	s0 =	simm.s32 @p0 $0x1  }
0x13: {  	[smem:$0x3FAF] =	sst s0;
	s0 =	simm.s32 @!p1 $0x0  }
0x14: {  	s2 =	sld [smem:$0x3F93];
	s0 =	simm.s32 @p1 $0x1  }
0x15: {  	[smem:$0x3FB0] =	sst s0;
	s0 =	simm.s32 @!p2 $0x0  }
0x16: {  	s3 =	sld [smem:$0x3FDB];
	s0 =	simm.s32 @p2 $0x1  }
0x17: {  	s4 =	simm.s32 $0x1BF5;
	[smem:$0x3FB2] =	sst s0  }
0x18: {  	s0 =	sld [smem:$0x3F95];
	_ =	swait.ge [sflag:s4], $0x0  }
0x19: {  	s7 =	sld [smem:$0x3F96]  }
0x1a: {  	s8 =	sadd.s32 $0xFFFFE003, lr  }
0x1b: {  	s9 =	sadd.s32 $0xFFFFFEF7, lr;
	s5 =	simm.s32 $0xFFFFFFFF;
	p2 =	slt.u32 s8, $0xFFFFF086  }
0x1c: {  	p1 =	slt.u32 s9, $0xF7A;
	s5 =	simm.s32 @!p2 $0x0  }
0x1d: {  	s5 =	simm.s32 @p1 $0x1;
	p0 =	seq.s32 s7, s2  }
0x1e: {  	s7 =	smul.u32 @!p0 $0xF7A, s2;
	p2 =	seq.s32 @!p0 s5, $0x0  }
0x1f: {  	s9 =	smul.u32 $0xF7A, s1;
	s8 =	simm.s32 @!p0 $0x1BF5;
	p2 =	por !p2, p0  }
0x20: {  	[sflag:s8] =	ssyncset.s32 @!p0 $0xFFFFF086;
	s6 =	sadd.s32 @!p0 s3, s7;
	s7 =	simm.s32 @!p0 $0x108  }
0x21: {  	s3 =	sadd.s32 s3, s9;
	s6 =	sadd.s32 @!p0 $0x88, s6;
	s7 =	simm.s32 @p2 $0x1082  }
0x22: {  	[simem:s7], [sflag:s8] =	dma.local @!p0 [hbm:s6], $0xF7A  }
0x23: {  	s9 =	sor.u32 $0xD0000000, s2;
	s6 =	simm.s32 $0x108;
	_ =	swait.ge @!p0 [sflag:s8], $0x0  }
0x24: {  	s3 =	sadd.s32 $0x88, s3;
	s6 =	simm.s32 @!p1 $0x1082;
	[sflag:s4] =	ssyncset.s32 $0xFFFFF086  }
0x25: {  	[simem:s6], [sflag:s4] =	dma.local [hbm:s3], $0xF7A  }
0x26: {  	[smem:$0x3F96] =	sst s1;
	(tag) =	ssettag s2;
	_ =	strace s9  }
0x27: {  	s1 =	sld [smem:$0x3FA6]  }
0x28: {  	s2 =	sld [smem:$0x3FA7]  }
0x29: {  	s4 =	sld [smem:$0x3FA9]  }
0x2a: {  	p0 =	seq.s32 s5, $0x0;
	s5 =	sld [smem:$0x3FAA]  }
0x2b: {  	s6 =	sld [smem:$0x3FAB]  }
0x2c: {  	s7 =	sld [smem:$0x3FAC]  }
0x2d: {  	s3 =	simm.s32 $0x108;
	s8 =	sld [smem:$0x3FAD]  }
0x2e: {  	s3 =	simm.s32 @!p0 $0x1082;
	s9 =	sld [smem:$0x3FAE]  }
0x2f: {  	lr =	sadd.s32 s0, s3;
	s0 =	sld [smem:$0x3FA5]  }
0x30: {  	s3 =	sld [smem:$0x3FA8]  }
0x31: {  	[smem:$0x3FB1] =	sst s10  }
0x32: {  	s10 =	sld [smem:$0x3FAF];
	_ =	sdelay $0x3  }
0x33: {  	p0 =	seq.s32 s10, $0x1;
	s10 =	sld [smem:$0x3FB1];
	_ =	sdelay $0x3  }
0x34: {  	[smem:$0x3FB1] =	sst s10  }
0x35: {  	s10 =	sld [smem:$0x3FB0];
	_ =	sdelay $0x3  }
0x36: {  	p1 =	seq.s32 s10, $0x1;
	s10 =	sld [smem:$0x3FB1];
	_ =	sdelay $0x3  }
0x37: {  	[smem:$0x3FB1] =	sst s10  }
0x38: {  	s10 =	sld [smem:$0x3FB2]  }
0x39: {  	_ = 	snop;
	(pc) =	sbr.ind lr, $3  }
0x3a: {  	_ = 	snop  }
0x3b: {  	_ = 	snop  }
0x3c: {  	p2 =	seq.s32 s10, $0x1;
	s10 =	sld [smem:$0x3FB1]  }
0x3d: {  	_ =	shalt  }
0x3e: {  	_ =	shalt  }
0x3f: {  	_ =	shalt  }
0x40: {  	_ =	shalt  }
0x41: {  	_ =	shalt  }
0x42: {  	_ =	shalt  }
0x43: {  	_ =	shalt  }
0x44: {  	_ =	shalt  }
0x45: {  	_ =	shalt  }
0x46: {  	_ =	shalt  }
0x47: {  	_ =	shalt  }
0x48: {  	_ =	shalt  }
0x49: {  	_ =	shalt  }
0x4a: {  	_ =	shalt  }
0x4b: {  	_ =	shalt  }
0x4c: {  	_ =	shalt  }
0x4d: {  	_ =	shalt  }
0x4e: {  	_ =	shalt  }
0x4f: {  	_ =	shalt  }
0x50: {  	_ =	shalt  }
0x51: {  	_ =	shalt  }
0x52: {  	_ =	shalt  }
0x53: {  	_ =	shalt  }
0x54: {  	_ =	shalt  }
0x55: {  	_ =	shalt  }
0x56: {  	_ =	shalt  }
0x57: {  	_ =	shalt  }
0x58: {  	_ =	shalt  }
0x59: {  	_ =	shalt  }
0x5a: {  	_ =	shalt  }
0x5b: {  	_ =	shalt  }
0x5c: {  	_ =	shalt  }
0x5d: {  	_ =	shalt  }
0x5e: {  	_ =	shalt  }
0x5f: {  	_ =	shalt  }
0x60: {  	_ =	shalt  }
0x61: {  	_ =	shalt  }
0x62: {  	_ =	shalt  }
0x63: {  	_ =	shalt  }
0x64: {  	_ =	shalt  }
0x65: {  	_ =	shalt  }
0x66: {  	_ =	shalt  }
0x67: {  	_ =	shalt  }
0x68: {  	_ =	shalt  }
0x69: {  	_ =	shalt  }
0x6a: {  	_ =	shalt  }
0x6b: {  	_ =	shalt  }
0x6c: {  	_ =	shalt  }
0x6d: {  	_ =	shalt  }
0x6e: {  	_ =	shalt  }
0x6f: {  	_ =	shalt  }
0x70: {  	_ =	shalt  }
0x71: {  	_ =	shalt  }
0x72: {  	_ =	shalt  }
0x73: {  	_ =	shalt  }
0x74: {  	_ =	shalt  }
0x75: {  	_ =	shalt  }
0x76: {  	_ =	shalt  }
0x77: {  	_ =	shalt  }
0x78: {  	_ =	shalt  }
0x79: {  	_ =	shalt  }
0x7a: {  	_ =	shalt  }
0x7b: {  	_ =	shalt  }
0x7c: {  	_ =	shalt  }
0x7d: {  	_ =	shalt  }
0x7e: {  	_ =	shalt  }
0x7f: {  	_ =	shalt  }
0x80: {  	_ =	shalt  }
0x81: {  	_ =	shalt  }
0x82: {  	_ =	shalt  }
0x83: {  	_ =	shalt  }
0x84: {  	_ =	shalt  }
0x85: {  	_ =	shalt  }
0x86: {  	_ =	shalt  }
0x87: {  	_ =	shalt  }
.Lfunc_end0:
.L_simem_size_0:
called_computation_lowered:
.L_overlay_start_0:
0x88: {  	s2 =	sld [smem:$0x3FD9]  }
0x89: {  	s3 =	sld [smem:$0x3FFE];
	_ =	sdelay $0x1  }
0x8a: {  	s1 =	srdreg.scid  }
0x8b: {  	s0 =	sand.u32 $0x1, s1  }
0x8c: {  	s16 =	sshll.u32 s0, $0xA;
	s2 =	sadd.s32 s3, s2  }
0x8d: {  	s2 =	sadd.s32 s2, s16  }
0x8e: {  	[smem:$0x3FBD] =	sst s2  }
0x8f: {  	_ = 	snop  }
0x90: {  	(tm) =	ssettm $0x1  }
0x91: {  	s17 =	sld [smem:$0x3FFB];
	_ =	sdelay $0x3  }
0x92: {  	_ =	strace s17  }
0x93: {  	s2 =	sld [smem:$0x3FFC];
	_ =	sdelay $0x3  }
0x94: {  	_ =	strace s2  }
0x95: {  	s2 =	sld [smem:$0x3FFD];
	_ =	sdelay $0x3  }
0x96: {  	_ =	strace s2  }
0x97: {  	_ =	strace $0x8FFFFFFF  }
0x98: {  	s18 =	sld [smem:$0x3FDB];
	_ =	sdelay $0x1  }
0x99: {  	s19 =	simm.s32 $_scs_section_size  }
0x9a: {  	s4 =	simm.s32 $_size__tile_overlayer_lowered;
	s5 =	simm.s32 $_tile_overlayer_lowered  }
0x9b: {  	s22 =	simm.s32 $0x1BFF;
	s21 =	sshll.u32 s5, $0x1;
	s2 =	sadd.s32 s19, s18  }
0x9c: {  	s6 =	simm.s32 $0x0;
	s20 =	sshll.u32 s4, $0x1;
	s4 =	sadd.s32 s21, s2  }
0x9d: {  	[timem:s6], [sflag:s22] =	dma.local [hbm:s4], s20  }
0x9e: {  	_ =	swait.ge [sflag:s22], s20  }
0x9f: {  	s3 =	ssub.s32 $0x0, s20;
	[sflag:s22] =	ssyncset.done $0x0  }
0xa0: {  	[sflag:s22] =	ssyncadd.s32 s3;
	_ =	sdelay $0x1  }
0xa1: {  	s23 =	simm.s32 $0x1B8B  }
0xa2: {  	_ =	swait.ge [sflag:s23], $0x1  }
0xa3: {  	[sflag:s23] =	ssyncset.done $0x0  }
0xa4: {  	s25 =	simm.s32 $0x1B8E;
	s24 =	sld [smem:$0x3FFE];
	[sflag:s23] =	ssyncadd.s32 $0xFFFFFFFF  }
0xa5: {  	s26 =	simm.s32 $execute0_lowered;
	[smem:$0x3FD2] =	sst s25  }
0xa6: {  	s4 =	sshll.u32 s26, $0x1;
	_ =	strace $0x80000046;
	[dreg:$0x1] =	wrdreg $0xFFFFFFFF  }
0xa7: {  	s28 =	simm.s32 $_size_execute0_lowered;
	s2 =	sadd.s32 s2, s4;
	[dreg:$0x0] =	wrdreg $0x0  }
0xa8: {  	s4 =	sshll.u32 s28, $0x1;
	[dreg:$0x2] =	wrdreg s2  }
0xa9: {  	[dreg:$0x3] =	wrdreg s4  }
0xaa: {  	[dreg:$0x4] =	wrdreg $0xC0  }
0xab: {  	_ =	task [dreg:s6], $0x5FFFF  }
0xac: {  	[dreg:$0x1] =	wrdreg $0xFFFFFFFF  }
0xad: {  	[dreg:$0x0] =	wrdreg $0x60  }
0xae: {  	[dreg:$0x2] =	wrdreg s24  }
0xaf: {  	[dreg:$0x3] =	wrdreg $0x9  }
0xb0: {  	_ =	task.clear_ibuf [dreg:s6], $0x4FFFF;
	_ =	strace $0x90000046  }
0xb1: {  	s29 =	simm.s32 $0x9;
	_ =	strace $0x80000048  }
0xb2: {  	_ =	swait.ge [sflag:s29], $0x1  }
0xb3: {  	[sflag:s29] =	ssyncadd.s32 $0xFFFFFFFF  }
0xb4: {  	_ =	strace $0x90000048  }
0xb5: {  	_ =	sfence  }
0xb6: {  	s30 =	sld [smem:$0x0];
	_ =	sdelay $0x2  }
0xb7: {  	s31 =	sshll.u32 s1, $0xD;
	s1 =	sshrl.u32 s1, $0x2  }
0xb8: {  	s3 =	sand.u32 $0x4000, s31;
	s1 =	sadd.s32 s1, s30  }
0xb9: {  	s0 =	sor.u32 s3, s0;
	s1 =	sshll.u32 s1, $0x11  }
0xba: {  	s0 =	sor.u32 s1, s0  }
0xbb: {  	s0 =	sadd.s32 $0x8F2B, s0  }
0xbc: {  	[sflag:s0] =	ssyncadd.remote.s32 $0x1  }
0xbd: {  	_ =	sfence.sel $0xFFFF  }
0xbe: {  	[dreg:$0x0] =	wrdreg $0xFFFFFFFF;
	(pc) =	sbr.abs _section_cstart, $3  }
0xbf: {  	[dreg:$0x1] =	wrdreg $0xFFFFFFFF  }
0xc0: {  	_ =	task.clear_ibuf [dreg:s6], $0x2FFFF;
	_ =	strace $0x9FFFFFFF  }
0xc1: {  	(tm) =	ssettm $0x7FFFFFFF  }
tec
execute0_lowered:
.L_overlay_start_1:
0x0: {  	(tag) =	ssettag $0x1  }
0x1: {  	s1 =	srdreg.scid  }
0x2: {  	s0 =	stileid.u32;
	s10 =	sand.u32 $0x1, s1  }
0x3: {  	s8 =	rddreg [dreg:$0x0];
	s3 =	sshll.u32 s0, $0xA;
	s4 =	sshll.u32 s10, $0x9  }
0x4: {  	s2 =	simm.s32 $0x0;
	s1 =	rddreg [dreg:$0x1];
	s9 =	sor.u32 s4, s3  }
0x5: {  	[smem:$0x7FF] =	sst s2;
	s11 =	sadd.s32 $0x200, s8;
	s3 =	sshrl.u32 s9, $0x3  }
0x6: {  	_ =	strace $0x80000047;
	s4 =	sadd.s32 s11, s3;
	s3 =	simm.s32 $0x2  }
0x7: {  	[tilespmem:s2], [sflag:$0x2] =	stream.linear.gather [hbm4b:s4+s2], $0x100, $0x38;
	[tilespmem:$0x8100] =	vst v63  }
0x8: {  	_ =	swait.ge [sflag:s3], $0x100  }
0x9: {  	s6 =	simm.s32 $0x100;
	[sflag:s3] =	ssyncset.done $0x0  }
0xa: {  	s7 =	simm.s32 $0x1;
	s5 =	sadd.s32 $0xA00, s8;
	[sflag:s3] =	ssyncadd.s32 $0xFFFFFF00  }
0xb: {  	[tilespmem:s6], [sflag:$0x1] =	stream.indirect.gather [hbm4b:s5+s6], $0x80, s2, s6, $0xb8;
	[tilespmem:$0x8100] =	vst v63  }
0xc: {  	_ =	swait.ge [sflag:s7], $0x8000  }
0xd: {  	s12 =	sadd.s32 $0x40A00, s8;
	s29 =	sshll.u32 s9, $0x4;
	[sflag:s7] =	ssyncset.done $0x0  }
0xe: {  	s8 =	sadd.s32 s12, s29;
	[sflag:s7] =	ssyncadd.s32 $0xFFFF8000  }
0xf: {  	[hbm4b:s8+s2] =	stream.linear.scatter [tilespmem:s6], [sflag:$0x2], $0x8000, $0x38;
	[tilespmem:$0x8100] =	vst v63  }
0x10: {  	s13 =	sor.u32 $0x100, s9;
	_ =	swait.ge [sflag:s3], $0x8000  }
0x11: {  	s9 =	sshrl.u32 s13, $0x3;
	[sflag:s3] =	ssyncset.done $0x0  }
0x12: {  	s10 =	ssub.s32 $0x2, s10;
	s9 =	sadd.s32 s11, s9;
	[sflag:s3] =	ssyncadd.s32 $0xFFFF8000  }
0x13: {  	[tilespmem:s2], [sflag:$0x2] =	stream.linear.gather [hbm4b:s9+s2], $0x100, $0x38;
	[tilespmem:$0x8100] =	vst v63  }
0x14: {  	s30 =	sshrl.u32 s10, $0x1;
	_ =	swait.ge [sflag:s3], $0x100  }
0x15: {  	s11 =	ssub.s32 s10, s30;
	[sflag:s3] =	ssyncset.done $0x0  }
0x16: {  	s11 =	smax.u32 s11, $0x1;
	[sflag:s3] =	ssyncadd.s32 $0xFFFFFF00  }
0x17: {  	[tilespmem:s6], [sflag:$0x1] =	stream.indirect.gather [hbm4b:s5+s6], $0x80, s2, s6, $0xb8;
	[tilespmem:$0x8100] =	vst v63  }
0x18: {  	p0 =	sne.s32 s11, $0x1;
	_ =	swait.ge [sflag:s7], $0x8000  }
.Ltmp0:
0x19: {  	s31 =	sshll.u32 s13, $0x4;
	[sflag:s7] =	ssyncset.done $0x0;
	(pc) =	sbr.rel @!p0 .LBB2_2-.Ltmp0, $4  }
0x1a: {  	s10 =	sadd.s32 s12, s31;
	[sflag:s7] =	ssyncadd.s32 $0xFFFF8000  }
0x1b: {  	[hbm4b:s10+s2] =	stream.linear.scatter [tilespmem:s6], [sflag:$0x2], $0x8000, $0x38;
	[tilespmem:$0x8100] =	vst v63  }
0x1c: {  	_ =	swait.ge [sflag:s3], $0x8000  }
0x1d: {  	s11 =	sadd.s32 $0xFFFFFFFF, s11;
	[sflag:s3] =	ssyncset.done $0x0  }
.LBB2_1:
0x1e: {  	p0 =	sne.s32 s11, $0x1;
	s11 =	sadd.s32 $0xFFFFFFFF, s11;
	[sflag:s3] =	ssyncadd.s32 $0xFFFF8000  }
0x1f: {  	[tilespmem:s2], [sflag:$0x2] =	stream.linear.gather [hbm4b:s4+s2], $0x100, $0x38;
	[tilespmem:$0x8100] =	vst v63  }
0x20: {  	_ =	swait.ge [sflag:s3], $0x100  }
0x21: {  	[sflag:s3] =	ssyncset.done $0x0  }
0x22: {  	[sflag:s3] =	ssyncadd.s32 $0xFFFFFF00  }
0x23: {  	[tilespmem:s6], [sflag:$0x1] =	stream.indirect.gather [hbm4b:s5+s6], $0x80, s2, s6, $0xb8;
	[tilespmem:$0x8100] =	vst v63  }
0x24: {  	_ =	swait.ge [sflag:s7], $0x8000  }
0x25: {  	[sflag:s7] =	ssyncset.done $0x0  }
0x26: {  	[sflag:s7] =	ssyncadd.s32 $0xFFFF8000  }
0x27: {  	[hbm4b:s8+s2] =	stream.linear.scatter [tilespmem:s6], [sflag:$0x2], $0x8000, $0x38;
	[tilespmem:$0x8100] =	vst v63  }
0x28: {  	_ =	swait.ge [sflag:s3], $0x8000  }
0x29: {  	[sflag:s3] =	ssyncset.done $0x0  }
0x2a: {  	[sflag:s3] =	ssyncadd.s32 $0xFFFF8000  }
0x2b: {  	[tilespmem:s2], [sflag:$0x2] =	stream.linear.gather [hbm4b:s9+s2], $0x100, $0x38;
	[tilespmem:$0x8100] =	vst v63  }
0x2c: {  	_ =	swait.ge [sflag:s3], $0x100  }
0x2d: {  	[sflag:s3] =	ssyncset.done $0x0  }
0x2e: {  	[sflag:s3] =	ssyncadd.s32 $0xFFFFFF00  }
0x2f: {  	[tilespmem:s6], [sflag:$0x1] =	stream.indirect.gather [hbm4b:s5+s6], $0x80, s2, s6, $0xb8;
	[tilespmem:$0x8100] =	vst v63  }
0x30: {  	_ =	swait.ge [sflag:s7], $0x8000  }
.Ltmp1:
0x31: {  	[sflag:s7] =	ssyncset.done $0x0;
	(pc) =	sbr.rel @p0 .LBB2_1-.Ltmp1, $4  }
0x32: {  	[sflag:s7] =	ssyncadd.s32 $0xFFFF8000  }
0x33: {  	[hbm4b:s10+s2] =	stream.linear.scatter [tilespmem:s6], [sflag:$0x2], $0x8000, $0x38;
	[tilespmem:$0x8100] =	vst v63  }
0x34: {  	_ =	swait.ge [sflag:s3], $0x8000  }
0x35: {  	[sflag:s3] =	ssyncset.done $0x0  }
.LBB2_2:
0x36: {  	[sflag:s3] =	ssyncadd.s32 $0xFFFF8000  }
0x37: {  	_ =	sfence.sel $0x180000  }
0x38: {  	[bflag:$0x0] =	sbarrier.arrive $0xFFFF  }
0x39: {  	p0 =	sne.s32 s0, $0x0;
	_ =	strace $0x90000047  }
0x3a: {  	s0 =	sadd.s32 @!p0 $0x100000, s1;
	[bflag:$0x2] =	sbarrier.arrive $0xFFFF  }
0x3b: {  	[sflag:s0] =	ssyncadd.tile.s32 @!p0 $0x1;
	_ =	shalt  }
.Lfunc_end2:
_tile_overlayer_lowered:
.L_overlay_start_2:
0x3c: {  	(tag) =	ssettag $0x2  }
0x3d: {  	s0 =	rddreg [dreg:$0x0];
	s2 =	stileid.u32  }
0x3e: {  	s1 =	rddreg [dreg:$0x1];
	p0 =	sne.s32 s2, $0x0  }
0x3f: {  	s3 =	rddreg [dreg:$0x2];
	[bflag:$0x3] =	sbarrier.arrive $0xFFFF;
	s2 =	simm.s32 @!p0 $0x1C02  }
0x40: {  	[timem:s3], [sflag:s2] =	dma.local @!p0 [hbm:s0], s1  }
0x41: {  	s0 =	simm.s32 @!p0 $0x2  }
0x42: {  	_ =	swait.ge @!p0 [sflag:s0], s1  }
0x43: {  	s1 =	ssub.s32 @!p0 $0x0, s1;
	[sflag:s0] =	ssyncset.done @!p0 $0x0  }
0x44: {  	[sflag:s0] =	ssyncadd.s32 @!p0 s1  }
0x45: {  	[bflag:$0x3] =	sbarrier.arrive $0xFFFF  }
0x46: {  	_ =	shalt  }

// kernel: kernel.13.cloned.1.call-start
scs
__scs_entry_jumppad:
0x0: {  	(pc) =	sbr.rel $0x88, $3  }
0x1: {  	(tag) =	ssettag $0x0;
	lr =	simm.s32 $0x1  }
0x2: {  	[smem:$0x3F96] =	sst lr;
	_ =	strace $0xD0000000  }
0x3: {  	_ = 	snop  }
0x4: {  	_ = 	snop  }
0x5: {  	_ = 	snop  }
0x6: {  	_ = 	snop  }
0x7: {  	_ = 	snop  }
__scs_overlays_trampoline_lowered:
0x8: {  	[smem:$0x3FA5] =	sst s0  }
0x9: {  	[smem:$0x3FA6] =	sst s1  }
0xa: {  	[smem:$0x3FA7] =	sst s2  }
0xb: {  	[smem:$0x3FA8] =	sst s3  }
0xc: {  	[smem:$0x3FA9] =	sst s4  }
0xd: {  	[smem:$0x3FAA] =	sst s5  }
0xe: {  	[smem:$0x3FAB] =	sst s6  }
0xf: {  	[smem:$0x3FAC] =	sst s7  }
0x10: {  	[smem:$0x3FAD] =	sst s8  }
0x11: {  	[smem:$0x3FAE] =	sst s9;
	s0 =	simm.s32 @!p0 $0x0  }
0x12: {  	s1 =	sld [smem:$0x3F94];
	s0 =	simm.s32 @p0 $0x1  }
0x13: {  	[smem:$0x3FAF] =	sst s0;
	s0 =	simm.s32 @!p1 $0x0  }
0x14: {  	s2 =	sld [smem:$0x3F93];
	s0 =	simm.s32 @p1 $0x1  }
0x15: {  	[smem:$0x3FB0] =	sst s0;
	s0 =	simm.s32 @!p2 $0x0  }
0x16: {  	s3 =	sld [smem:$0x3FDB];
	s0 =	simm.s32 @p2 $0x1  }
0x17: {  	s4 =	simm.s32 $0x1BF5;
	[smem:$0x3FB2] =	sst s0  }
0x18: {  	s0 =	sld [smem:$0x3F95];
	_ =	swait.ge [sflag:s4], $0x0  }
0x19: {  	s7 =	sld [smem:$0x3F96]  }
0x1a: {  	s8 =	sadd.s32 $0xFFFFE003, lr  }
0x1b: {  	s9 =	sadd.s32 $0xFFFFFEF7, lr;
	s5 =	simm.s32 $0xFFFFFFFF;
	p2 =	slt.u32 s8, $0xFFFFF086  }
0x1c: {  	p1 =	slt.u32 s9, $0xF7A;
	s5 =	simm.s32 @!p2 $0x0  }
0x1d: {  	s5 =	simm.s32 @p1 $0x1;
	p0 =	seq.s32 s7, s2  }
0x1e: {  	s7 =	smul.u32 @!p0 $0xF7A, s2;
	p2 =	seq.s32 @!p0 s5, $0x0  }
0x1f: {  	s9 =	smul.u32 $0xF7A, s1;
	s8 =	simm.s32 @!p0 $0x1BF5;
	p2 =	por !p2, p0  }
0x20: {  	[sflag:s8] =	ssyncset.s32 @!p0 $0xFFFFF086;
	s6 =	sadd.s32 @!p0 s3, s7;
	s7 =	simm.s32 @!p0 $0x108  }
0x21: {  	s3 =	sadd.s32 s3, s9;
	s6 =	sadd.s32 @!p0 $0x88, s6;
	s7 =	simm.s32 @p2 $0x1082  }
0x22: {  	[simem:s7], [sflag:s8] =	dma.local @!p0 [hbm:s6], $0xF7A  }
0x23: {  	s9 =	sor.u32 $0xD0000000, s2;
	s6 =	simm.s32 $0x108;
	_ =	swait.ge @!p0 [sflag:s8], $0x0  }
0x24: {  	s3 =	sadd.s32 $0x88, s3;
	s6 =	simm.s32 @!p1 $0x1082;
	[sflag:s4] =	ssyncset.s32 $0xFFFFF086  }
0x25: {  	[simem:s6], [sflag:s4] =	dma.local [hbm:s3], $0xF7A  }
0x26: {  	[smem:$0x3F96] =	sst s1;
	(tag) =	ssettag s2;
	_ =	strace s9  }
0x27: {  	s1 =	sld [smem:$0x3FA6]  }
0x28: {  	s2 =	sld [smem:$0x3FA7]  }
0x29: {  	s4 =	sld [smem:$0x3FA9]  }
0x2a: {  	p0 =	seq.s32 s5, $0x0;
	s5 =	sld [smem:$0x3FAA]  }
0x2b: {  	s6 =	sld [smem:$0x3FAB]  }
0x2c: {  	s7 =	sld [smem:$0x3FAC]  }
0x2d: {  	s3 =	simm.s32 $0x108;
	s8 =	sld [smem:$0x3FAD]  }
0x2e: {  	s3 =	simm.s32 @!p0 $0x1082;
	s9 =	sld [smem:$0x3FAE]  }
0x2f: {  	lr =	sadd.s32 s0, s3;
	s0 =	sld [smem:$0x3FA5]  }
0x30: {  	s3 =	sld [smem:$0x3FA8]  }
0x31: {  	[smem:$0x3FB1] =	sst s10  }
0x32: {  	s10 =	sld [smem:$0x3FAF];
	_ =	sdelay $0x3  }
0x33: {  	p0 =	seq.s32 s10, $0x1;
	s10 =	sld [smem:$0x3FB1];
	_ =	sdelay $0x3  }
0x34: {  	[smem:$0x3FB1] =	sst s10  }
0x35: {  	s10 =	sld [smem:$0x3FB0];
	_ =	sdelay $0x3  }
0x36: {  	p1 =	seq.s32 s10, $0x1;
	s10 =	sld [smem:$0x3FB1];
	_ =	sdelay $0x3  }
0x37: {  	[smem:$0x3FB1] =	sst s10  }
0x38: {  	s10 =	sld [smem:$0x3FB2]  }
0x39: {  	_ = 	snop;
	(pc) =	sbr.ind lr, $3  }
0x3a: {  	_ = 	snop  }
0x3b: {  	_ = 	snop  }
0x3c: {  	p2 =	seq.s32 s10, $0x1;
	s10 =	sld [smem:$0x3FB1]  }
0x3d: {  	_ =	shalt  }
0x3e: {  	_ =	shalt  }
0x3f: {  	_ =	shalt  }
0x40: {  	_ =	shalt  }
0x41: {  	_ =	shalt  }
0x42: {  	_ =	shalt  }
0x43: {  	_ =	shalt  }
0x44: {  	_ =	shalt  }
0x45: {  	_ =	shalt  }
0x46: {  	_ =	shalt  }
0x47: {  	_ =	shalt  }
0x48: {  	_ =	shalt  }
0x49: {  	_ =	shalt  }
0x4a: {  	_ =	shalt  }
0x4b: {  	_ =	shalt  }
0x4c: {  	_ =	shalt  }
0x4d: {  	_ =	shalt  }
0x4e: {  	_ =	shalt  }
0x4f: {  	_ =	shalt  }
0x50: {  	_ =	shalt  }
0x51: {  	_ =	shalt  }
0x52: {  	_ =	shalt  }
0x53: {  	_ =	shalt  }
0x54: {  	_ =	shalt  }
0x55: {  	_ =	shalt  }
0x56: {  	_ =	shalt  }
0x57: {  	_ =	shalt  }
0x58: {  	_ =	shalt  }
0x59: {  	_ =	shalt  }
0x5a: {  	_ =	shalt  }
0x5b: {  	_ =	shalt  }
0x5c: {  	_ =	shalt  }
0x5d: {  	_ =	shalt  }
0x5e: {  	_ =	shalt  }
0x5f: {  	_ =	shalt  }
0x60: {  	_ =	shalt  }
0x61: {  	_ =	shalt  }
0x62: {  	_ =	shalt  }
0x63: {  	_ =	shalt  }
0x64: {  	_ =	shalt  }
0x65: {  	_ =	shalt  }
0x66: {  	_ =	shalt  }
0x67: {  	_ =	shalt  }
0x68: {  	_ =	shalt  }
0x69: {  	_ =	shalt  }
0x6a: {  	_ =	shalt  }
0x6b: {  	_ =	shalt  }
0x6c: {  	_ =	shalt  }
0x6d: {  	_ =	shalt  }
0x6e: {  	_ =	shalt  }
0x6f: {  	_ =	shalt  }
0x70: {  	_ =	shalt  }
0x71: {  	_ =	shalt  }
0x72: {  	_ =	shalt  }
0x73: {  	_ =	shalt  }
0x74: {  	_ =	shalt  }
0x75: {  	_ =	shalt  }
0x76: {  	_ =	shalt  }
0x77: {  	_ =	shalt  }
0x78: {  	_ =	shalt  }
0x79: {  	_ =	shalt  }
0x7a: {  	_ =	shalt  }
0x7b: {  	_ =	shalt  }
0x7c: {  	_ =	shalt  }
0x7d: {  	_ =	shalt  }
0x7e: {  	_ =	shalt  }
0x7f: {  	_ =	shalt  }
0x80: {  	_ =	shalt  }
0x81: {  	_ =	shalt  }
0x82: {  	_ =	shalt  }
0x83: {  	_ =	shalt  }
0x84: {  	_ =	shalt  }
0x85: {  	_ =	shalt  }
0x86: {  	_ =	shalt  }
0x87: {  	_ =	shalt  }
.Lfunc_end0:
.L_simem_size_0:
called_computation.1_lowered:
.L_overlay_start_0:
0x88: {  	s2 =	sld [smem:$0x3FD9]  }
0x89: {  	s3 =	sld [smem:$0x3FFE];
	_ =	sdelay $0x1  }
0x8a: {  	s1 =	srdreg.scid  }
0x8b: {  	s0 =	sand.u32 $0x1, s1  }
0x8c: {  	s14 =	sshll.u32 s0, $0xA;
	s2 =	sadd.s32 s3, s2  }
0x8d: {  	s2 =	sadd.s32 s2, s14  }
0x8e: {  	[smem:$0x3FBD] =	sst s2  }
0x8f: {  	_ = 	snop  }
0x90: {  	s2 =	sld [smem:$0x3FD0];
	_ =	sdelay $0x2  }
0x91: {  	s15 =	simm.s32 $0xB;
	s4 =	simm.s32 $0x10  }
0x92: {  	[smem:s4], [sflag:s15] =	dma.local [hbm:s2], $0x1  }
0x93: {  	_ =	swait.eq [sflag:s15], $0x1  }
0x94: {  	[sflag:s15] =	ssyncset.done $0x0  }
0x95: {  	[sflag:s15] =	ssyncadd.s32 $0xFFFFFFFF  }
0x96: {  	s16 =	sld [smem:$0x11];
	(tm) =	ssettm $0x1  }
0x97: {  	s17 =	sld [smem:$0x3FFB];
	_ =	sdelay $0x3  }
0x98: {  	_ =	strace s17  }
0x99: {  	s3 =	sld [smem:$0x3FFC];
	_ =	sdelay $0x3  }
0x9a: {  	_ =	strace s3  }
0x9b: {  	s3 =	sld [smem:$0x3FFD];
	_ =	sdelay $0x3  }
0x9c: {  	_ =	strace s3  }
0x9d: {  	_ =	strace $0x8FFFFFFF  }
0x9e: {  	s18 =	sld [smem:$0x3FDB];
	_ =	sdelay $0x1  }
0x9f: {  	s19 =	simm.s32 $_scs_section_size  }
0xa0: {  	s5 =	simm.s32 $_size__tile_overlayer_lowered;
	s6 =	simm.s32 $_tile_overlayer_lowered  }
0xa1: {  	s22 =	simm.s32 $0x1BFF;
	s21 =	sshll.u32 s6, $0x1;
	s3 =	sadd.s32 s19, s18  }
0xa2: {  	s7 =	simm.s32 $0x0;
	s20 =	sshll.u32 s5, $0x1;
	s5 =	sadd.s32 s21, s3  }
0xa3: {  	[timem:s7], [sflag:s22] =	dma.local [hbm:s5], s20  }
0xa4: {  	_ =	swait.ge [sflag:s22], s20  }
0xa5: {  	s4 =	ssub.s32 $0x0, s20;
	[sflag:s22] =	ssyncset.done $0x0  }
0xa6: {  	[sflag:s22] =	ssyncadd.s32 s4;
	_ =	sdelay $0x1  }
0xa7: {  	s23 =	simm.s32 $0x1B8B  }
0xa8: {  	_ =	swait.ge [sflag:s23], $0x1  }
0xa9: {  	[sflag:s23] =	ssyncset.done $0x0  }
0xaa: {  	s25 =	simm.s32 $0x1B8E;
	s24 =	sld [smem:$0x3FFE];
	[sflag:s23] =	ssyncadd.s32 $0xFFFFFFFF  }
0xab: {  	s26 =	simm.s32 $execute0_lowered;
	[smem:$0x3FD2] =	sst s25  }
0xac: {  	s5 =	sshll.u32 s26, $0x1;
	_ =	strace $0x80000049;
	[dreg:$0x1] =	wrdreg $0xFFFFFFFF  }
0xad: {  	s28 =	simm.s32 $_size_execute0_lowered;
	s3 =	sadd.s32 s3, s5;
	[dreg:$0x0] =	wrdreg $0x0  }
0xae: {  	s5 =	sshll.u32 s28, $0x1;
	[dreg:$0x2] =	wrdreg s3  }
0xaf: {  	[dreg:$0x3] =	wrdreg s5  }
0xb0: {  	[dreg:$0x4] =	wrdreg $0xC0  }
0xb1: {  	_ =	task [dreg:s7], $0x5FFFF  }
0xb2: {  	[dreg:$0x1] =	wrdreg $0xFFFFFFFF  }
0xb3: {  	[dreg:$0x0] =	wrdreg $0x60  }
0xb4: {  	[dreg:$0x2] =	wrdreg s16  }
0xb5: {  	[dreg:$0x3] =	wrdreg s24  }
0xb6: {  	[dreg:$0x4] =	wrdreg $0x9  }
0xb7: {  	_ =	task.clear_ibuf [dreg:s7], $0x5FFFF;
	_ =	strace $0x90000049  }
0xb8: {  	s29 =	simm.s32 $0x9;
	_ =	strace $0x8000004B  }
0xb9: {  	_ =	swait.ge [sflag:s29], $0x1  }
0xba: {  	[sflag:s29] =	ssyncadd.s32 $0xFFFFFFFF  }
0xbb: {  	_ =	strace $0x9000004B  }
0xbc: {  	_ =	sfence  }
0xbd: {  	s30 =	sld [smem:$0x0];
	_ =	sdelay $0x2  }
0xbe: {  	s31 =	sshll.u32 s1, $0xD;
	s1 =	sshrl.u32 s1, $0x2  }
0xbf: {  	s3 =	sand.u32 $0x4000, s31;
	s1 =	sadd.s32 s1, s30  }
0xc0: {  	s0 =	sor.u32 s3, s0;
	s1 =	sshll.u32 s1, $0x11  }
0xc1: {  	s0 =	sor.u32 s1, s0  }
0xc2: {  	s0 =	sadd.s32 $0x8F2B, s0  }
0xc3: {  	[sflag:s0] =	ssyncadd.remote.s32 $0x1  }
0xc4: {  	_ =	sfence.sel $0xFFFF  }
0xc5: {  	[dreg:$0x0] =	wrdreg $0xFFFFFFFF;
	(pc) =	sbr.abs _section_cstart, $3  }
0xc6: {  	[dreg:$0x1] =	wrdreg $0xFFFFFFFF  }
0xc7: {  	_ =	task.clear_ibuf [dreg:s7], $0x2FFFF;
	_ =	strace $0x9FFFFFFF  }
0xc8: {  	(tm) =	ssettm $0x7FFFFFFF  }
0xc9: {  	_ =	shalt  }
tec
execute0_lowered:
.L_overlay_start_1:
0x0: {  	(tag) =	ssettag $0x1  }
0x1: {  	s1 =	rddreg [dreg:$0x0]  }
0x2: {  	s4 =	rddreg [dreg:$0x1]  }
0x3: {  	s0 =	rddreg [dreg:$0x2];
	s5 =	srdreg.scid  }
0x4: {  	s3 =	simm.s32 $0x0;
	s2 =	stileid.u32;
	s10 =	simm.s32 $0x0  }
0x5: {  	s5 =	sand.u32 $0x1, s5;
	[smem:$0x7FF] =	sst s3;
	s6 =	sshll.u32 s2, $0xE  }
0x6: {  	s8 =	sshll.u32 s2, $0x12;
	s7 =	sshll.u32 s5, $0xD;
	_ =	strace $0x8000004A  }
0x7: {  	s31 =	ssub.s32 $0x2, s5;
	s8 =	sadd.s32 s8, s4;
	s5 =	sshll.u32 s5, $0x11  }
0x8: {  	s6 =	sor.u32 s7, s6;
	s9 =	sshrl.u32 s31, $0x1;
	s5 =	sadd.s32 s5, s8  }
0x9: {  	s8 =	simm.s32 $0x100;
	s6 =	sshrl.u32 s6, $0x3;
	s7 =	ssub.s32 s31, s9  }
0xa: {  	s5 =	sadd.s32 $0xC0A00, s5;
	s9 =	simm.s32 $0x1;
	s6 =	sadd.s32 s6, s4  }
0xb: {  	s4 =	smax.u32 s7, $0x1;
	s7 =	simm.s32 $0x2;
	s6 =	sadd.s32 $0xA00, s6  }
.LBB2_1:
0xc: {  	s11 =	sadd.s32 $0x0, s6  }
0xd: {  	[tilespmem:s3], [sflag:$0x2] =	stream.linear.gather [hbm4b:s11+s3], $0x100, $0x38;
	[tilespmem:$0x8100] =	vst v63  }
0xe: {  	_ =	swait.ge [sflag:s7], $0x100  }
0xf: {  	[sflag:s7] =	ssyncset.done $0x0  }
0x10: {  	[sflag:s7] =	ssyncadd.s32 $0xFFFFFF00  }
0x11: {  	[tilespmem:s8], [sflag:$0x1] =	stream.indirect.gather [hbm4b:s1+s8], $0x80, s3, s8, $0xb8;
	[tilespmem:$0x8100] =	vst v63  }
0x12: {  	_ =	swait.ge [sflag:s9], $0x8000  }
0x13: {  	[sflag:s9] =	ssyncset.done $0x0  }
0x14: {  	[sflag:s9] =	ssyncadd.s32 $0xFFFF8000  }
0x15: {  	[hbm4b:s5+s3] =	stream.linear.scatter [tilespmem:s8], [sflag:$0x2], $0x8000, $0x38;
	[tilespmem:$0x8100] =	vst v63  }
0x16: {  	s12 =	simm.s32 $0x20;
	_ =	swait.ge [sflag:s7], $0x8000  }
0x17: {  	s13 =	simm.s32 $0x40;
	s11 =	sadd.s32 $0x1000, s5;
	[sflag:s7] =	ssyncset.done $0x0  }
.LBB2_2:
0x18: {  	s14 =	sadd.s32 s12, s6  }
0x19: {  	[sflag:s7] =	ssyncadd.s32 $0xFFFF8000;
	s12 =	smov.u32 s13;
	s15 =	sadd.s32 $0x20, s13  }
0x1a: {  	[tilespmem:s3], [sflag:$0x2] =	stream.linear.gather [hbm4b:s14+s3], $0x100, $0x38;
	[tilespmem:$0x8100] =	vst v63  }
0x1b: {  	p0 =	sne.s32 s13, $0x3E0;
	_ =	swait.ge [sflag:s7], $0x100  }
0x1c: {  	[sflag:s7] =	ssyncset.done $0x0  }
0x1d: {  	[sflag:s7] =	ssyncadd.s32 $0xFFFFFF00  }
0x1e: {  	[tilespmem:s8], [sflag:$0x1] =	stream.indirect.gather [hbm4b:s1+s8], $0x80, s3, s8, $0xb8;
	[tilespmem:$0x8100] =	vst v63  }
0x1f: {  	_ =	swait.ge [sflag:s9], $0x8000  }
.Ltmp0:
0x20: {  	[sflag:s9] =	ssyncset.done $0x0;
	(pc) =	sbr.rel @p0 .LBB2_2-.Ltmp0, $4  }
0x21: {  	[sflag:s9] =	ssyncadd.s32 $0xFFFF8000  }
0x22: {  	[hbm4b:s11+s3] =	stream.linear.scatter [tilespmem:s8], [sflag:$0x2], $0x8000, $0x38;
	[tilespmem:$0x8100] =	vst v63  }
0x23: {  	_ =	swait.ge [sflag:s7], $0x8000  }
0x24: {  	s13 =	smov.u32 s15;
	s11 =	sadd.s32 $0x1000, s11;
	[sflag:s7] =	ssyncset.done $0x0  }
0x25: {  	s12 =	sadd.s32 s12, s6;
	[sflag:s7] =	ssyncadd.s32 $0xFFFF8000  }
0x26: {  	[tilespmem:s3], [sflag:$0x2] =	stream.linear.gather [hbm4b:s12+s3], $0x100, $0x38;
	[tilespmem:$0x8100] =	vst v63  }
0x27: {  	_ =	swait.ge [sflag:s7], $0x100  }
0x28: {  	[sflag:s7] =	ssyncset.done $0x0  }
0x29: {  	[sflag:s7] =	ssyncadd.s32 $0xFFFFFF00  }
0x2a: {  	[tilespmem:s8], [sflag:$0x1] =	stream.indirect.gather [hbm4b:s1+s8], $0x80, s3, s8, $0xb8;
	[tilespmem:$0x8100] =	vst v63  }
0x2b: {  	s10 =	sadd.s32 $0x1, s10;
	_ =	swait.ge [sflag:s9], $0x8000  }
0x2c: {  	p0 =	sne.s32 s10, s4;
	[sflag:s9] =	ssyncset.done $0x0  }
.Ltmp1:
0x2d: {  	[sflag:s9] =	ssyncadd.s32 $0xFFFF8000;
	(pc) =	sbr.rel @p0 .LBB2_1-.Ltmp1, $4  }
0x2e: {  	[hbm4b:s11+s3] =	stream.linear.scatter [tilespmem:s8], [sflag:$0x2], $0x8000, $0x38;
	[tilespmem:$0x8100] =	vst v63  }
0x2f: {  	_ =	swait.ge [sflag:s7], $0x8000  }
0x30: {  	[sflag:s7] =	ssyncset.done $0x0  }
0x31: {  	[sflag:s7] =	ssyncadd.s32 $0xFFFF8000  }
0x32: {  	_ =	sfence.sel $0x180000  }
0x33: {  	[bflag:$0x0] =	sbarrier.arrive $0xFFFF  }
0x34: {  	p0 =	sne.s32 s2, $0x0;
	_ =	strace $0x9000004A  }
0x35: {  	s0 =	sadd.s32 @!p0 $0x100000, s0;
	[bflag:$0x2] =	sbarrier.arrive $0xFFFF  }
0x36: {  	[sflag:s0] =	ssyncadd.tile.s32 @!p0 $0x1;
	_ =	shalt  }
.Lfunc_end2:
_tile_overlayer_lowered:
.L_overlay_start_2:
0x37: {  	(tag) =	ssettag $0x2  }
0x38: {  	s0 =	rddreg [dreg:$0x0];
	s2 =	stileid.u32  }
0x39: {  	s1 =	rddreg [dreg:$0x1];
	p0 =	sne.s32 s2, $0x0  }
0x3a: {  	s3 =	rddreg [dreg:$0x2];
	[bflag:$0x3] =	sbarrier.arrive $0xFFFF;
	s2 =	simm.s32 @!p0 $0x1C02  }
0x3b: {  	[timem:s3], [sflag:s2] =	dma.local @!p0 [hbm:s0], s1  }
0x3c: {  	s0 =	simm.s32 @!p0 $0x2  }
0x3d: {  	_ =	swait.ge @!p0 [sflag:s0], s1  }
0x3e: {  	s1 =	ssub.s32 @!p0 $0x0, s1;
	[sflag:s0] =	ssyncset.done @!p0 $0x0  }
0x3f: {  	[sflag:s0] =	ssyncadd.s32 @!p0 s1  }
0x40: {  	[bflag:$0x3] =	sbarrier.arrive $0xFFFF  }
0x41: {  	_ =	shalt  }

// kernel: kernel.16.cloned.1.call-start
scs
__scs_entry_jumppad:
0x0: {  	(pc) =	sbr.rel $0x88, $3  }
0x1: {  	(tag) =	ssettag $0x0;
	lr =	simm.s32 $0x1  }
0x2: {  	[smem:$0x3F96] =	sst lr;
	_ =	strace $0xD0000000  }
0x3: {  	_ = 	snop  }
0x4: {  	_ = 	snop  }
0x5: {  	_ = 	snop  }
0x6: {  	_ = 	snop  }
0x7: {  	_ = 	snop  }
__scs_overlays_trampoline_lowered:
0x8: {  	[smem:$0x3FA5] =	sst s0  }
0x9: {  	[smem:$0x3FA6] =	sst s1  }
0xa: {  	[smem:$0x3FA7] =	sst s2  }
0xb: {  	[smem:$0x3FA8] =	sst s3  }
0xc: {  	[smem:$0x3FA9] =	sst s4  }
0xd: {  	[smem:$0x3FAA] =	sst s5  }
0xe: {  	[smem:$0x3FAB] =	sst s6  }
0xf: {  	[smem:$0x3FAC] =	sst s7  }
0x10: {  	[smem:$0x3FAD] =	sst s8  }
0x11: {  	[smem:$0x3FAE] =	sst s9;
	s0 =	simm.s32 @!p0 $0x0  }
0x12: {  	s1 =	sld [smem:$0x3F94];
	s0 =	simm.s32 @p0 $0x1  }
0x13: {  	[smem:$0x3FAF] =	sst s0;
	s0 =	simm.s32 @!p1 $0x0  }
0x14: {  	s2 =	sld [smem:$0x3F93];
	s0 =	simm.s32 @p1 $0x1  }
0x15: {  	[smem:$0x3FB0] =	sst s0;
	s0 =	simm.s32 @!p2 $0x0  }
0x16: {  	s3 =	sld [smem:$0x3FDB];
	s0 =	simm.s32 @p2 $0x1  }
0x17: {  	s4 =	simm.s32 $0x1BF5;
	[smem:$0x3FB2] =	sst s0  }
0x18: {  	s0 =	sld [smem:$0x3F95];
	_ =	swait.ge [sflag:s4], $0x0  }
0x19: {  	s7 =	sld [smem:$0x3F96]  }
0x1a: {  	s8 =	sadd.s32 $0xFFFFE003, lr  }
0x1b: {  	s9 =	sadd.s32 $0xFFFFFEF7, lr;
	s5 =	simm.s32 $0xFFFFFFFF;
	p2 =	slt.u32 s8, $0xFFFFF086  }
0x1c: {  	p1 =	slt.u32 s9, $0xF7A;
	s5 =	simm.s32 @!p2 $0x0  }
0x1d: {  	s5 =	simm.s32 @p1 $0x1;
	p0 =	seq.s32 s7, s2  }
0x1e: {  	s7 =	smul.u32 @!p0 $0xF7A, s2;
	p2 =	seq.s32 @!p0 s5, $0x0  }
0x1f: {  	s9 =	smul.u32 $0xF7A, s1;
	s8 =	simm.s32 @!p0 $0x1BF5;
	p2 =	por !p2, p0  }
0x20: {  	[sflag:s8] =	ssyncset.s32 @!p0 $0xFFFFF086;
	s6 =	sadd.s32 @!p0 s3, s7;
	s7 =	simm.s32 @!p0 $0x108  }
0x21: {  	s3 =	sadd.s32 s3, s9;
	s6 =	sadd.s32 @!p0 $0x88, s6;
	s7 =	simm.s32 @p2 $0x1082  }
0x22: {  	[simem:s7], [sflag:s8] =	dma.local @!p0 [hbm:s6], $0xF7A  }
0x23: {  	s9 =	sor.u32 $0xD0000000, s2;
	s6 =	simm.s32 $0x108;
	_ =	swait.ge @!p0 [sflag:s8], $0x0  }
0x24: {  	s3 =	sadd.s32 $0x88, s3;
	s6 =	simm.s32 @!p1 $0x1082;
	[sflag:s4] =	ssyncset.s32 $0xFFFFF086  }
0x25: {  	[simem:s6], [sflag:s4] =	dma.local [hbm:s3], $0xF7A  }
0x26: {  	[smem:$0x3F96] =	sst s1;
	(tag) =	ssettag s2;
	_ =	strace s9  }
0x27: {  	s1 =	sld [smem:$0x3FA6]  }
0x28: {  	s2 =	sld [smem:$0x3FA7]  }
0x29: {  	s4 =	sld [smem:$0x3FA9]  }
0x2a: {  	p0 =	seq.s32 s5, $0x0;
	s5 =	sld [smem:$0x3FAA]  }
0x2b: {  	s6 =	sld [smem:$0x3FAB]  }
0x2c: {  	s7 =	sld [smem:$0x3FAC]  }
0x2d: {  	s3 =	simm.s32 $0x108;
	s8 =	sld [smem:$0x3FAD]  }
0x2e: {  	s3 =	simm.s32 @!p0 $0x1082;
	s9 =	sld [smem:$0x3FAE]  }
0x2f: {  	lr =	sadd.s32 s0, s3;
	s0 =	sld [smem:$0x3FA5]  }
0x30: {  	s3 =	sld [smem:$0x3FA8]  }
0x31: {  	[smem:$0x3FB1] =	sst s10  }
0x32: {  	s10 =	sld [smem:$0x3FAF];
	_ =	sdelay $0x3  }
0x33: {  	p0 =	seq.s32 s10, $0x1;
	s10 =	sld [smem:$0x3FB1];
	_ =	sdelay $0x3  }
0x34: {  	[smem:$0x3FB1] =	sst s10  }
0x35: {  	s10 =	sld [smem:$0x3FB0];
	_ =	sdelay $0x3  }
0x36: {  	p1 =	seq.s32 s10, $0x1;
	s10 =	sld [smem:$0x3FB1];
	_ =	sdelay $0x3  }
0x37: {  	[smem:$0x3FB1] =	sst s10  }
0x38: {  	s10 =	sld [smem:$0x3FB2]  }
0x39: {  	_ = 	snop;
	(pc) =	sbr.ind lr, $3  }
0x3a: {  	_ = 	snop  }
0x3b: {  	_ = 	snop  }
0x3c: {  	p2 =	seq.s32 s10, $0x1;
	s10 =	sld [smem:$0x3FB1]  }
0x3d: {  	_ =	shalt  }
0x3e: {  	_ =	shalt  }
0x3f: {  	_ =	shalt  }
0x40: {  	_ =	shalt  }
0x41: {  	_ =	shalt  }
0x42: {  	_ =	shalt  }
0x43: {  	_ =	shalt  }
0x44: {  	_ =	shalt  }
0x45: {  	_ =	shalt  }
0x46: {  	_ =	shalt  }
0x47: {  	_ =	shalt  }
0x48: {  	_ =	shalt  }
0x49: {  	_ =	shalt  }
0x4a: {  	_ =	shalt  }
0x4b: {  	_ =	shalt  }
0x4c: {  	_ =	shalt  }
0x4d: {  	_ =	shalt  }
0x4e: {  	_ =	shalt  }
0x4f: {  	_ =	shalt  }
0x50: {  	_ =	shalt  }
0x51: {  	_ =	shalt  }
0x52: {  	_ =	shalt  }
0x53: {  	_ =	shalt  }
0x54: {  	_ =	shalt  }
0x55: {  	_ =	shalt  }
0x56: {  	_ =	shalt  }
0x57: {  	_ =	shalt  }
0x58: {  	_ =	shalt  }
0x59: {  	_ =	shalt  }
0x5a: {  	_ =	shalt  }
0x5b: {  	_ =	shalt  }
0x5c: {  	_ =	shalt  }
0x5d: {  	_ =	shalt  }
0x5e: {  	_ =	shalt  }
0x5f: {  	_ =	shalt  }
0x60: {  	_ =	shalt  }
0x61: {  	_ =	shalt  }
0x62: {  	_ =	shalt  }
0x63: {  	_ =	shalt  }
0x64: {  	_ =	shalt  }
0x65: {  	_ =	shalt  }
0x66: {  	_ =	shalt  }
0x67: {  	_ =	shalt  }
0x68: {  	_ =	shalt  }
0x69: {  	_ =	shalt  }
0x6a: {  	_ =	shalt  }
0x6b: {  	_ =	shalt  }
0x6c: {  	_ =	shalt  }
0x6d: {  	_ =	shalt  }
0x6e: {  	_ =	shalt  }
0x6f: {  	_ =	shalt  }
0x70: {  	_ =	shalt  }
0x71: {  	_ =	shalt  }
0x72: {  	_ =	shalt  }
0x73: {  	_ =	shalt  }
0x74: {  	_ =	shalt  }
0x75: {  	_ =	shalt  }
0x76: {  	_ =	shalt  }
0x77: {  	_ =	shalt  }
0x78: {  	_ =	shalt  }
0x79: {  	_ =	shalt  }
0x7a: {  	_ =	shalt  }
0x7b: {  	_ =	shalt  }
0x7c: {  	_ =	shalt  }
0x7d: {  	_ =	shalt  }
0x7e: {  	_ =	shalt  }
0x7f: {  	_ =	shalt  }
0x80: {  	_ =	shalt  }
0x81: {  	_ =	shalt  }
0x82: {  	_ =	shalt  }
0x83: {  	_ =	shalt  }
0x84: {  	_ =	shalt  }
0x85: {  	_ =	shalt  }
0x86: {  	_ =	shalt  }
0x87: {  	_ =	shalt  }
.Lfunc_end0:
.L_simem_size_0:
called_computation.2_lowered:
.L_overlay_start_0:
0x88: {  	s2 =	sld [smem:$0x3FD9]  }
0x89: {  	s3 =	sld [smem:$0x3FFE];
	_ =	sdelay $0x1  }
0x8a: {  	s1 =	srdreg.scid  }
0x8b: {  	s0 =	sand.u32 $0x1, s1  }
0x8c: {  	s17 =	sshll.u32 s0, $0xA;
	s2 =	sadd.s32 s3, s2  }
0x8d: {  	s2 =	sadd.s32 s2, s17  }
0x8e: {  	[smem:$0x3FBD] =	sst s2  }
0x8f: {  	_ = 	snop  }
0x90: {  	(tm) =	ssettm $0x1  }
0x91: {  	s18 =	sld [smem:$0x3FFB];
	_ =	sdelay $0x3  }
0x92: {  	_ =	strace s18  }
0x93: {  	s2 =	sld [smem:$0x3FFC];
	_ =	sdelay $0x3  }
0x94: {  	_ =	strace s2  }
0x95: {  	s2 =	sld [smem:$0x3FFD];
	_ =	sdelay $0x3  }
0x96: {  	_ =	strace s2  }
0x97: {  	_ =	strace $0x8FFFFFFF  }
0x98: {  	s19 =	sld [smem:$0x3FDB];
	_ =	sdelay $0x1  }
0x99: {  	s20 =	simm.s32 $_scs_section_size  }
0x9a: {  	s4 =	simm.s32 $_size__tile_overlayer_lowered;
	s5 =	simm.s32 $_tile_overlayer_lowered  }
0x9b: {  	s6 =	simm.s32 $0x1BFF;
	s21 =	sshll.u32 s5, $0x1;
	s3 =	sadd.s32 s20, s19  }
0x9c: {  	s22 =	simm.s32 $0x0;
	s4 =	sshll.u32 s4, $0x1;
	s5 =	sadd.s32 s21, s3  }
0x9d: {  	[timem:s22], [sflag:s6] =	dma.local [hbm:s5], s4  }
0x9e: {  	_ =	swait.ge [sflag:s6], s4  }
0x9f: {  	s4 =	ssub.s32 $0x0, s4;
	[sflag:s6] =	ssyncset.done $0x0  }
0xa0: {  	[sflag:s6] =	ssyncadd.s32 s4;
	_ =	sdelay $0x1  }
0xa1: {  	s23 =	simm.s32 $0x1B8B  }
0xa2: {  	_ =	swait.ge [sflag:s23], $0x1  }
0xa3: {  	[sflag:s23] =	ssyncset.done $0x0  }
0xa4: {  	[sflag:s23] =	ssyncadd.s32 $0xFFFFFFFF  }
0xa5: {  	s4 =	sld [smem:$0x0]  }
0xa6: {  	s5 =	sand.u32 $0xFFFFFFFE, s1  }
0xa7: {  	p0 =	sne.s32 s1, s5  }
0xa8: {  	s5 =	sshll.u32 @p0 s5, $0xE  }
0xa9: {  	s5 =	sadd.s32 @p0 $0x11B8D, s5;
	s6 =	sshll.u32 @p0 s4, $0x11  }
0xaa: {  	s5 =	sor.u32 @p0 s6, s5  }
0xab: {  	[sflag:s5] =	ssyncadd.remote.s32 @p0 $0x1;
	_ =	sdelay $0x1  }
0xac: {  	s5 =	simm.s32 @p0 $0x1B8D  }
0xad: {  	_ =	swait.eq @p0 [sflag:s5], $0x1  }
0xae: {  	[sflag:s5] =	ssyncadd.s32 @p0 $0xFFFFFFFF  }
0xaf: {  	s6 =	sshll.u32 @!p0 s1, $0xE  }
0xb0: {  	s6 =	sor.u32 @!p0 $0x4000, s6;
	s5 =	simm.s32 @!p0 $0x1B8D  }
0xb1: {  	s4 =	sshll.u32 @!p0 s4, $0x11;
	s6 =	sadd.s32 @!p0 $0x11B8D, s6;
	_ =	swait.eq @!p0 [sflag:s5], $0x1  }
0xb2: {  	s4 =	sor.u32 @!p0 s4, s6;
	[sflag:s5] =	ssyncadd.s32 @!p0 $0xFFFFFFFF  }
0xb3: {  	s25 =	simm.s32 $0x1B8E;
	s24 =	sld [smem:$0x3FFE];
	[sflag:s4] =	ssyncadd.remote.s32 @!p0 $0x1  }
0xb4: {  	s26 =	simm.s32 $execute0_lowered;
	[smem:$0x3FD2] =	sst s25  }
0xb5: {  	s5 =	sshll.u32 s26, $0x1;
	_ =	strace $0x8000004C;
	[dreg:$0x1] =	wrdreg $0xFFFFFFFF  }
0xb6: {  	s28 =	simm.s32 $_size_execute0_lowered;
	s3 =	sadd.s32 s3, s5;
	[dreg:$0x0] =	wrdreg $0x0  }
0xb7: {  	s5 =	sshll.u32 s28, $0x1;
	[dreg:$0x2] =	wrdreg s3  }
0xb8: {  	[dreg:$0x3] =	wrdreg s5  }
0xb9: {  	[dreg:$0x4] =	wrdreg $0xC0  }
0xba: {  	_ =	task [dreg:s22], $0x5FFFF  }
0xbb: {  	[dreg:$0x1] =	wrdreg $0xFFFFFFFF  }
0xbc: {  	[dreg:$0x0] =	wrdreg $0x60  }
0xbd: {  	[dreg:$0x2] =	wrdreg s24  }
0xbe: {  	[dreg:$0x3] =	wrdreg $0xA  }
0xbf: {  	_ =	task.clear_ibuf [dreg:s22], $0x4FFFF;
	_ =	strace $0x9000004C  }
0xc0: {  	s29 =	simm.s32 $0xA;
	_ =	strace $0x8000004E  }
0xc1: {  	_ =	swait.ge [sflag:s29], $0x1  }
0xc2: {  	[sflag:s29] =	ssyncadd.s32 $0xFFFFFFFF  }
0xc3: {  	_ =	strace $0x9000004E  }
0xc4: {  	_ =	sfence  }
0xc5: {  	s30 =	sld [smem:$0x0];
	_ =	sdelay $0x2  }
0xc6: {  	s31 =	sshll.u32 s1, $0xD;
	s1 =	sshrl.u32 s1, $0x2  }
0xc7: {  	s4 =	sand.u32 $0x4000, s31;
	s1 =	sadd.s32 s1, s30  }
0xc8: {  	s0 =	sor.u32 s4, s0;
	s1 =	sshll.u32 s1, $0x11  }
0xc9: {  	s0 =	sor.u32 s1, s0  }
0xca: {  	s0 =	sadd.s32 $0x8F2B, s0  }
0xcb: {  	[sflag:s0] =	ssyncadd.remote.s32 $0x1  }
0xcc: {  	_ =	sfence.sel $0xFFFF  }
0xcd: {  	[dreg:$0x0] =	wrdreg $0xFFFFFFFF;
	(pc) =	sbr.abs _section_cstart, $3  }
0xce: {  	[dreg:$0x1] =	wrdreg $0xFFFFFFFF  }
0xcf: {  	_ =	task.clear_ibuf [dreg:s22], $0x2FFFF;
	_ =	strace $0x9FFFFFFF  }
0xd0: {  	(tm) =	ssettm $0x7FFFFFFF  }
0xd1: {  	_ =	shalt  }
tec
execute0_lowered:
.L_overlay_start_1:
0x0: {  	(tag) =	ssettag $0x1  }
0x1: {  	s1 =	srdreg.scid  }
0x2: {  	s0 =	stileid.u32;
	s10 =	sand.u32 $0x1, s1  }
0x3: {  	s8 =	rddreg [dreg:$0x0];
	s3 =	sshll.u32 s0, $0xA;
	s4 =	sshll.u32 s10, $0x9  }
0x4: {  	s2 =	simm.s32 $0x0;
	s1 =	rddreg [dreg:$0x1];
	s9 =	sor.u32 s4, s3  }
0x5: {  	[smem:$0x7FF] =	sst s2;
	s11 =	sadd.s32 $0x200, s8;
	s3 =	sshrl.u32 s9, $0x3  }
0x6: {  	_ =	strace $0x8000004D;
	s4 =	sadd.s32 s11, s3;
	s3 =	simm.s32 $0x2  }
0x7: {  	[tilespmem:s2], [sflag:$0x2] =	stream.linear.gather [hbm4b:s4+s2], $0x100, $0x38;
	[tilespmem:$0x8100] =	vst v63  }
0x8: {  	_ =	swait.ge [sflag:s3], $0x100  }
0x9: {  	s6 =	simm.s32 $0x100;
	[sflag:s3] =	ssyncset.done $0x0  }
0xa: {  	s7 =	simm.s32 $0x1;
	s5 =	sadd.s32 $0x80A00, s8;
	[sflag:s3] =	ssyncadd.s32 $0xFFFFFF00  }
0xb: {  	[tilespmem:s6], [sflag:$0x1] =	stream.indirect.gather [hbm4b:s5+s6], $0x80, s2, s6, $0xb8;
	[tilespmem:$0x8100] =	vst v63  }
0xc: {  	_ =	swait.ge [sflag:s7], $0x8000  }
0xd: {  	s12 =	sadd.s32 $0x4C0A00, s8;
	s29 =	sshll.u32 s9, $0x4;
	[sflag:s7] =	ssyncset.done $0x0  }
0xe: {  	s8 =	sadd.s32 s12, s29;
	[sflag:s7] =	ssyncadd.s32 $0xFFFF8000  }
0xf: {  	[hbm4b:s8+s2] =	stream.linear.scatter [tilespmem:s6], [sflag:$0x2], $0x8000, $0x38;
	[tilespmem:$0x8100] =	vst v63  }
0x10: {  	s13 =	sor.u32 $0x100, s9;
	_ =	swait.ge [sflag:s3], $0x8000  }
0x11: {  	s9 =	sshrl.u32 s13, $0x3;
	[sflag:s3] =	ssyncset.done $0x0  }
0x12: {  	s10 =	ssub.s32 $0x2, s10;
	s9 =	sadd.s32 s11, s9;
	[sflag:s3] =	ssyncadd.s32 $0xFFFF8000  }
0x13: {  	[tilespmem:s2], [sflag:$0x2] =	stream.linear.gather [hbm4b:s9+s2], $0x100, $0x38;
	[tilespmem:$0x8100] =	vst v63  }
0x14: {  	s30 =	sshrl.u32 s10, $0x1;
	_ =	swait.ge [sflag:s3], $0x100  }
0x15: {  	s11 =	ssub.s32 s10, s30;
	[sflag:s3] =	ssyncset.done $0x0  }
0x16: {  	s11 =	smax.u32 s11, $0x1;
	[sflag:s3] =	ssyncadd.s32 $0xFFFFFF00  }
0x17: {  	[tilespmem:s6], [sflag:$0x1] =	stream.indirect.gather [hbm4b:s5+s6], $0x80, s2, s6, $0xb8;
	[tilespmem:$0x8100] =	vst v63  }
0x18: {  	p0 =	sne.s32 s11, $0x1;
	_ =	swait.ge [sflag:s7], $0x8000  }
.Ltmp0:
0x19: {  	s31 =	sshll.u32 s13, $0x4;
	[sflag:s7] =	ssyncset.done $0x0;
	(pc) =	sbr.rel @!p0 .LBB2_2-.Ltmp0, $4  }
0x1a: {  	s10 =	sadd.s32 s12, s31;
	[sflag:s7] =	ssyncadd.s32 $0xFFFF8000  }
0x1b: {  	[hbm4b:s10+s2] =	stream.linear.scatter [tilespmem:s6], [sflag:$0x2], $0x8000, $0x38;
	[tilespmem:$0x8100] =	vst v63  }
0x1c: {  	_ =	swait.ge [sflag:s3], $0x8000  }
0x1d: {  	s11 =	sadd.s32 $0xFFFFFFFF, s11;
	[sflag:s3] =	ssyncset.done $0x0  }
.LBB2_1:
0x1e: {  	p0 =	sne.s32 s11, $0x1;
	s11 =	sadd.s32 $0xFFFFFFFF, s11;
	[sflag:s3] =	ssyncadd.s32 $0xFFFF8000  }
0x1f: {  	[tilespmem:s2], [sflag:$0x2] =	stream.linear.gather [hbm4b:s4+s2], $0x100, $0x38;
	[tilespmem:$0x8100] =	vst v63  }
0x20: {  	_ =	swait.ge [sflag:s3], $0x100  }
0x21: {  	[sflag:s3] =	ssyncset.done $0x0  }
0x22: {  	[sflag:s3] =	ssyncadd.s32 $0xFFFFFF00  }
0x23: {  	[tilespmem:s6], [sflag:$0x1] =	stream.indirect.gather [hbm4b:s5+s6], $0x80, s2, s6, $0xb8;
	[tilespmem:$0x8100] =	vst v63  }
0x24: {  	_ =	swait.ge [sflag:s7], $0x8000  }
0x25: {  	[sflag:s7] =	ssyncset.done $0x0  }
0x26: {  	[sflag:s7] =	ssyncadd.s32 $0xFFFF8000  }
0x27: {  	[hbm4b:s8+s2] =	stream.linear.scatter [tilespmem:s6], [sflag:$0x2], $0x8000, $0x38;
	[tilespmem:$0x8100] =	vst v63  }
0x28: {  	_ =	swait.ge [sflag:s3], $0x8000  }
0x29: {  	[sflag:s3] =	ssyncset.done $0x0  }
0x2a: {  	[sflag:s3] =	ssyncadd.s32 $0xFFFF8000  }
0x2b: {  	[tilespmem:s2], [sflag:$0x2] =	stream.linear.gather [hbm4b:s9+s2], $0x100, $0x38;
	[tilespmem:$0x8100] =	vst v63  }
0x2c: {  	_ =	swait.ge [sflag:s3], $0x100  }
0x2d: {  	[sflag:s3] =	ssyncset.done $0x0  }
0x2e: {  	[sflag:s3] =	ssyncadd.s32 $0xFFFFFF00  }
0x2f: {  	[tilespmem:s6], [sflag:$0x1] =	stream.indirect.gather [hbm4b:s5+s6], $0x80, s2, s6, $0xb8;
	[tilespmem:$0x8100] =	vst v63  }
0x30: {  	_ =	swait.ge [sflag:s7], $0x8000  }
.Ltmp1:
0x31: {  	[sflag:s7] =	ssyncset.done $0x0;
	(pc) =	sbr.rel @p0 .LBB2_1-.Ltmp1, $4  }
0x32: {  	[sflag:s7] =	ssyncadd.s32 $0xFFFF8000  }
0x33: {  	[hbm4b:s10+s2] =	stream.linear.scatter [tilespmem:s6], [sflag:$0x2], $0x8000, $0x38;
	[tilespmem:$0x8100] =	vst v63  }
0x34: {  	_ =	swait.ge [sflag:s3], $0x8000  }
0x35: {  	[sflag:s3] =	ssyncset.done $0x0  }
.LBB2_2:
0x36: {  	[sflag:s3] =	ssyncadd.s32 $0xFFFF8000  }
0x37: {  	_ =	sfence.sel $0x180000  }
0x38: {  	[bflag:$0x0] =	sbarrier.arrive $0xFFFF  }
0x39: {  	p0 =	sne.s32 s0, $0x0;
	_ =	strace $0x9000004D  }
0x3a: {  	s0 =	sadd.s32 @!p0 $0x100000, s1;
	[bflag:$0x2] =	sbarrier.arrive $0xFFFF  }
0x3b: {  	[sflag:s0] =	ssyncadd.tile.s32 @!p0 $0x1;
	_ =	shalt  }
.Lfunc_end2:
_tile_overlayer_lowered:
.L_overlay_start_2:
0x3c: {  	(tag) =	ssettag $0x2  }
0x3d: {  	s0 =	rddreg [dreg:$0x0];
	s2 =	stileid.u32  }
0x3e: {  	s1 =	rddreg [dreg:$0x1];
	p0 =	sne.s32 s2, $0x0  }
0x3f: {  	s3 =	rddreg [dreg:$0x2];
	[bflag:$0x3] =	sbarrier.arrive $0xFFFF;
	s2 =	simm.s32 @!p0 $0x1C02  }
0x40: {  	[timem:s3], [sflag:s2] =	dma.local @!p0 [hbm:s0], s1  }
0x41: {  	s0 =	simm.s32 @!p0 $0x2  }
0x42: {  	_ =	swait.ge @!p0 [sflag:s0], s1  }
0x43: {  	s1 =	ssub.s32 @!p0 $0x0, s1;
	[sflag:s0] =	ssyncset.done @!p0 $0x0  }
0x44: {  	[sflag:s0] =	ssyncadd.s32 @!p0 s1  }
0x45: {  	[bflag:$0x3] =	sbarrier.arrive $0xFFFF  }
0x46: {  	_ =	shalt  }

// kernel: kernel.19.cloned.1.call-start
scs
__scs_entry_jumppad:
0x0: {  	(pc) =	sbr.rel $0x88, $3  }
0x1: {  	(tag) =	ssettag $0x0;
	lr =	simm.s32 $0x1  }
0x2: {  	[smem:$0x3F96] =	sst lr;
	_ =	strace $0xD0000000  }
0x3: {  	_ = 	snop  }
0x4: {  	_ = 	snop  }
0x5: {  	_ = 	snop  }
0x6: {  	_ = 	snop  }
0x7: {  	_ = 	snop  }
__scs_overlays_trampoline_lowered:
0x8: {  	[smem:$0x3FA5] =	sst s0  }
0x9: {  	[smem:$0x3FA6] =	sst s1  }
0xa: {  	[smem:$0x3FA7] =	sst s2  }
0xb: {  	[smem:$0x3FA8] =	sst s3  }
0xc: {  	[smem:$0x3FA9] =	sst s4  }
0xd: {  	[smem:$0x3FAA] =	sst s5  }
0xe: {  	[smem:$0x3FAB] =	sst s6  }
0xf: {  	[smem:$0x3FAC] =	sst s7  }
0x10: {  	[smem:$0x3FAD] =	sst s8  }
0x11: {  	[smem:$0x3FAE] =	sst s9;
	s0 =	simm.s32 @!p0 $0x0  }
0x12: {  	s1 =	sld [smem:$0x3F94];
	s0 =	simm.s32 @p0 $0x1  }
0x13: {  	[smem:$0x3FAF] =	sst s0;
	s0 =	simm.s32 @!p1 $0x0  }
0x14: {  	s2 =	sld [smem:$0x3F93];
	s0 =	simm.s32 @p1 $0x1  }
0x15: {  	[smem:$0x3FB0] =	sst s0;
	s0 =	simm.s32 @!p2 $0x0  }
0x16: {  	s3 =	sld [smem:$0x3FDB];
	s0 =	simm.s32 @p2 $0x1  }
0x17: {  	s4 =	simm.s32 $0x1BF5;
	[smem:$0x3FB2] =	sst s0  }
0x18: {  	s0 =	sld [smem:$0x3F95];
	_ =	swait.ge [sflag:s4], $0x0  }
0x19: {  	s7 =	sld [smem:$0x3F96]  }
0x1a: {  	s8 =	sadd.s32 $0xFFFFE003, lr  }
0x1b: {  	s9 =	sadd.s32 $0xFFFFFEF7, lr;
	s5 =	simm.s32 $0xFFFFFFFF;
	p2 =	slt.u32 s8, $0xFFFFF086  }
0x1c: {  	p1 =	slt.u32 s9, $0xF7A;
	s5 =	simm.s32 @!p2 $0x0  }
0x1d: {  	s5 =	simm.s32 @p1 $0x1;
	p0 =	seq.s32 s7, s2  }
0x1e: {  	s7 =	smul.u32 @!p0 $0xF7A, s2;
	p2 =	seq.s32 @!p0 s5, $0x0  }
0x1f: {  	s9 =	smul.u32 $0xF7A, s1;
	s8 =	simm.s32 @!p0 $0x1BF5;
	p2 =	por !p2, p0  }
0x20: {  	[sflag:s8] =	ssyncset.s32 @!p0 $0xFFFFF086;
	s6 =	sadd.s32 @!p0 s3, s7;
	s7 =	simm.s32 @!p0 $0x108  }
0x21: {  	s3 =	sadd.s32 s3, s9;
	s6 =	sadd.s32 @!p0 $0x88, s6;
	s7 =	simm.s32 @p2 $0x1082  }
0x22: {  	[simem:s7], [sflag:s8] =	dma.local @!p0 [hbm:s6], $0xF7A  }
0x23: {  	s9 =	sor.u32 $0xD0000000, s2;
	s6 =	simm.s32 $0x108;
	_ =	swait.ge @!p0 [sflag:s8], $0x0  }
0x24: {  	s3 =	sadd.s32 $0x88, s3;
	s6 =	simm.s32 @!p1 $0x1082;
	[sflag:s4] =	ssyncset.s32 $0xFFFFF086  }
0x25: {  	[simem:s6], [sflag:s4] =	dma.local [hbm:s3], $0xF7A  }
0x26: {  	[smem:$0x3F96] =	sst s1;
	(tag) =	ssettag s2;
	_ =	strace s9  }
0x27: {  	s1 =	sld [smem:$0x3FA6]  }
0x28: {  	s2 =	sld [smem:$0x3FA7]  }
0x29: {  	s4 =	sld [smem:$0x3FA9]  }
0x2a: {  	p0 =	seq.s32 s5, $0x0;
	s5 =	sld [smem:$0x3FAA]  }
0x2b: {  	s6 =	sld [smem:$0x3FAB]  }
0x2c: {  	s7 =	sld [smem:$0x3FAC]  }
0x2d: {  	s3 =	simm.s32 $0x108;
	s8 =	sld [smem:$0x3FAD]  }
0x2e: {  	s3 =	simm.s32 @!p0 $0x1082;
	s9 =	sld [smem:$0x3FAE]  }
0x2f: {  	lr =	sadd.s32 s0, s3;
	s0 =	sld [smem:$0x3FA5]  }
0x30: {  	s3 =	sld [smem:$0x3FA8]  }
0x31: {  	[smem:$0x3FB1] =	sst s10  }
0x32: {  	s10 =	sld [smem:$0x3FAF];
	_ =	sdelay $0x3  }
0x33: {  	p0 =	seq.s32 s10, $0x1;
	s10 =	sld [smem:$0x3FB1];
	_ =	sdelay $0x3  }
0x34: {  	[smem:$0x3FB1] =	sst s10  }
0x35: {  	s10 =	sld [smem:$0x3FB0];
	_ =	sdelay $0x3  }
0x36: {  	p1 =	seq.s32 s10, $0x1;
	s10 =	sld [smem:$0x3FB1];
	_ =	sdelay $0x3  }
0x37: {  	[smem:$0x3FB1] =	sst s10  }
0x38: {  	s10 =	sld [smem:$0x3FB2]  }
0x39: {  	_ = 	snop;
	(pc) =	sbr.ind lr, $3  }
0x3a: {  	_ = 	snop  }
0x3b: {  	_ = 	snop  }
0x3c: {  	p2 =	seq.s32 s10, $0x1;
	s10 =	sld [smem:$0x3FB1]  }
0x3d: {  	_ =	shalt  }
0x3e: {  	_ =	shalt  }
0x3f: {  	_ =	shalt  }
0x40: {  	_ =	shalt  }
0x41: {  	_ =	shalt  }
0x42: {  	_ =	shalt  }
0x43: {  	_ =	shalt  }
0x44: {  	_ =	shalt  }
0x45: {  	_ =	shalt  }
0x46: {  	_ =	shalt  }
0x47: {  	_ =	shalt  }
0x48: {  	_ =	shalt  }
0x49: {  	_ =	shalt  }
0x4a: {  	_ =	shalt  }
0x4b: {  	_ =	shalt  }
0x4c: {  	_ =	shalt  }
0x4d: {  	_ =	shalt  }
0x4e: {  	_ =	shalt  }
0x4f: {  	_ =	shalt  }
0x50: {  	_ =	shalt  }
0x51: {  	_ =	shalt  }
0x52: {  	_ =	shalt  }
0x53: {  	_ =	shalt  }
0x54: {  	_ =	shalt  }
0x55: {  	_ =	shalt  }
0x56: {  	_ =	shalt  }
0x57: {  	_ =	shalt  }
0x58: {  	_ =	shalt  }
0x59: {  	_ =	shalt  }
0x5a: {  	_ =	shalt  }
0x5b: {  	_ =	shalt  }
0x5c: {  	_ =	shalt  }
0x5d: {  	_ =	shalt  }
0x5e: {  	_ =	shalt  }
0x5f: {  	_ =	shalt  }
0x60: {  	_ =	shalt  }
0x61: {  	_ =	shalt  }
0x62: {  	_ =	shalt  }
0x63: {  	_ =	shalt  }
0x64: {  	_ =	shalt  }
0x65: {  	_ =	shalt  }
0x66: {  	_ =	shalt  }
0x67: {  	_ =	shalt  }
0x68: {  	_ =	shalt  }
0x69: {  	_ =	shalt  }
0x6a: {  	_ =	shalt  }
0x6b: {  	_ =	shalt  }
0x6c: {  	_ =	shalt  }
0x6d: {  	_ =	shalt  }
0x6e: {  	_ =	shalt  }
0x6f: {  	_ =	shalt  }
0x70: {  	_ =	shalt  }
0x71: {  	_ =	shalt  }
0x72: {  	_ =	shalt  }
0x73: {  	_ =	shalt  }
0x74: {  	_ =	shalt  }
0x75: {  	_ =	shalt  }
0x76: {  	_ =	shalt  }
0x77: {  	_ =	shalt  }
0x78: {  	_ =	shalt  }
0x79: {  	_ =	shalt  }
0x7a: {  	_ =	shalt  }
0x7b: {  	_ =	shalt  }
0x7c: {  	_ =	shalt  }
0x7d: {  	_ =	shalt  }
0x7e: {  	_ =	shalt  }
0x7f: {  	_ =	shalt  }
0x80: {  	_ =	shalt  }
0x81: {  	_ =	shalt  }
0x82: {  	_ =	shalt  }
0x83: {  	_ =	shalt  }
0x84: {  	_ =	shalt  }
0x85: {  	_ =	shalt  }
0x86: {  	_ =	shalt  }
0x87: {  	_ =	shalt  }
.Lfunc_end0:
.L_simem_size_0:
called_computation.3_lowered:
.L_overlay_start_0:
0x88: {  	s2 =	sld [smem:$0x3FD9]  }
0x89: {  	s3 =	sld [smem:$0x3FFE];
	_ =	sdelay $0x1  }
0x8a: {  	s1 =	srdreg.scid  }
0x8b: {  	s0 =	sand.u32 $0x1, s1  }
0x8c: {  	s14 =	sshll.u32 s0, $0xA;
	s2 =	sadd.s32 s3, s2  }
0x8d: {  	s2 =	sadd.s32 s2, s14  }
0x8e: {  	[smem:$0x3FBD] =	sst s2  }
0x8f: {  	_ = 	snop  }
0x90: {  	s2 =	sld [smem:$0x3FD0];
	_ =	sdelay $0x2  }
0x91: {  	s15 =	simm.s32 $0xB;
	s4 =	simm.s32 $0x10  }
0x92: {  	[smem:s4], [sflag:s15] =	dma.local [hbm:s2], $0x1  }
0x93: {  	_ =	swait.eq [sflag:s15], $0x1  }
0x94: {  	[sflag:s15] =	ssyncset.done $0x0  }
0x95: {  	s16 =	sld [smem:$0x10];
	[sflag:s15] =	ssyncadd.s32 $0xFFFFFFFF  }
0x96: {  	s17 =	sld [smem:$0x11];
	(tm) =	ssettm $0x1  }
0x97: {  	s18 =	sld [smem:$0x3FFB];
	_ =	sdelay $0x3  }
0x98: {  	_ =	strace s18  }
0x99: {  	s4 =	sld [smem:$0x3FFC];
	_ =	sdelay $0x3  }
0x9a: {  	_ =	strace s4  }
0x9b: {  	s4 =	sld [smem:$0x3FFD];
	_ =	sdelay $0x3  }
0x9c: {  	_ =	strace s4  }
0x9d: {  	_ =	strace $0x8FFFFFFF  }
0x9e: {  	s19 =	sld [smem:$0x3FDB];
	_ =	sdelay $0x1  }
0x9f: {  	s5 =	simm.s32 $_scs_section_size  }
0xa0: {  	s6 =	simm.s32 $_size__tile_overlayer_lowered;
	s7 =	simm.s32 $_tile_overlayer_lowered  }
0xa1: {  	s22 =	simm.s32 $0x1BFF;
	s21 =	sshll.u32 s7, $0x1;
	s4 =	sadd.s32 s5, s19  }
0xa2: {  	s8 =	simm.s32 $0x0;
	s20 =	sshll.u32 s6, $0x1;
	s6 =	sadd.s32 s21, s4  }
0xa3: {  	[timem:s8], [sflag:s22] =	dma.local [hbm:s6], s20  }
0xa4: {  	_ =	swait.ge [sflag:s22], s20  }
0xa5: {  	s5 =	ssub.s32 $0x0, s20;
	[sflag:s22] =	ssyncset.done $0x0  }
0xa6: {  	[sflag:s22] =	ssyncadd.s32 s5;
	_ =	sdelay $0x1  }
0xa7: {  	s23 =	simm.s32 $0x1B8B  }
0xa8: {  	_ =	swait.ge [sflag:s23], $0x1  }
0xa9: {  	[sflag:s23] =	ssyncset.done $0x0  }
0xaa: {  	s25 =	simm.s32 $0x1B8E;
	s24 =	sld [smem:$0x3FFE];
	[sflag:s23] =	ssyncadd.s32 $0xFFFFFFFF  }
0xab: {  	s26 =	simm.s32 $execute0_lowered;
	[smem:$0x3FD2] =	sst s25  }
0xac: {  	s6 =	sshll.u32 s26, $0x1;
	_ =	strace $0x8000004F;
	[dreg:$0x1] =	wrdreg $0xFFFFFFFF  }
0xad: {  	s28 =	simm.s32 $_size_execute0_lowered;
	s4 =	sadd.s32 s4, s6;
	[dreg:$0x0] =	wrdreg $0x0  }
0xae: {  	s6 =	sshll.u32 s28, $0x1;
	[dreg:$0x2] =	wrdreg s4  }
0xaf: {  	[dreg:$0x3] =	wrdreg s6  }
0xb0: {  	[dreg:$0x4] =	wrdreg $0xC0  }
0xb1: {  	_ =	task [dreg:s8], $0x5FFFF  }
0xb2: {  	[dreg:$0x1] =	wrdreg $0xFFFFFFFF  }
0xb3: {  	[dreg:$0x0] =	wrdreg $0x60  }
0xb4: {  	[dreg:$0x2] =	wrdreg s17  }
0xb5: {  	[dreg:$0x3] =	wrdreg s16  }
0xb6: {  	[dreg:$0x4] =	wrdreg s24  }
0xb7: {  	[dreg:$0x5] =	wrdreg $0x9  }
0xb8: {  	_ =	task.clear_ibuf [dreg:s8], $0x6FFFF;
	_ =	strace $0x9000004F  }
0xb9: {  	s29 =	simm.s32 $0x9;
	_ =	strace $0x80000051  }
0xba: {  	_ =	swait.ge [sflag:s29], $0x1  }
0xbb: {  	[sflag:s29] =	ssyncadd.s32 $0xFFFFFFFF  }
0xbc: {  	_ =	strace $0x90000051  }
0xbd: {  	_ =	sfence  }
0xbe: {  	s30 =	sld [smem:$0x0];
	_ =	sdelay $0x2  }
0xbf: {  	s31 =	sshll.u32 s1, $0xD;
	s1 =	sshrl.u32 s1, $0x2  }
0xc0: {  	s3 =	sand.u32 $0x4000, s31;
	s1 =	sadd.s32 s1, s30  }
0xc1: {  	s0 =	sor.u32 s3, s0;
	s1 =	sshll.u32 s1, $0x11  }
0xc2: {  	s0 =	sor.u32 s1, s0  }
0xc3: {  	s0 =	sadd.s32 $0x8F2B, s0  }
0xc4: {  	[sflag:s0] =	ssyncadd.remote.s32 $0x1  }
0xc5: {  	_ =	sfence.sel $0xFFFF  }
0xc6: {  	[dreg:$0x0] =	wrdreg $0xFFFFFFFF;
	(pc) =	sbr.abs _section_cstart, $3  }
0xc7: {  	[dreg:$0x1] =	wrdreg $0xFFFFFFFF  }
0xc8: {  	_ =	task.clear_ibuf [dreg:s8], $0x2FFFF;
	_ =	strace $0x9FFFFFFF  }
0xc9: {  	(tm) =	ssettm $0x7FFFFFFF  }
tec
execute0_lowered:
.L_overlay_start_1:
0x0: {  	(tag) =	ssettag $0x1  }
0x1: {  	s1 =	rddreg [dreg:$0x0];
	s2 =	srdreg.scid  }
0x2: {  	s9 =	rddreg [dreg:$0x1];
	s0 =	stileid.u32;
	s10 =	sand.u32 $0x1, s2  }
0x3: {  	s11 =	rddreg [dreg:$0x2];
	s4 =	sshll.u32 s0, $0xA;
	s5 =	sshll.u32 s10, $0x9  }
0x4: {  	s3 =	simm.s32 $0x0;
	s2 =	rddreg [dreg:$0x3];
	s12 =	sor.u32 s5, s4  }
0x5: {  	[smem:$0x7FF] =	sst s3;
	s4 =	sshrl.u32 s12, $0x3  }
0x6: {  	_ =	strace $0x80000050;
	s5 =	sadd.s32 s9, s4;
	s4 =	simm.s32 $0x2  }
0x7: {  	[tilespmem:s3], [sflag:$0x2] =	stream.linear.gather [hbm4b:s5+s3], $0x100, $0x38;
	[tilespmem:$0x8100] =	vst v63  }
0x8: {  	_ =	swait.ge [sflag:s4], $0x100  }
0x9: {  	[sflag:s4] =	ssyncset.done $0x0  }
0xa: {  	s6 =	simm.s32 $0x100;
	s7 =	simm.s32 $0x1;
	[sflag:s4] =	ssyncadd.s32 $0xFFFFFF00  }
0xb: {  	[tilespmem:s6], [sflag:$0x1] =	stream.indirect.gather [hbm4b:s1+s6], $0x80, s3, s6, $0xb8;
	[tilespmem:$0x8100] =	vst v63  }
0xc: {  	_ =	swait.ge [sflag:s7], $0x8000  }
0xd: {  	s8 =	sshll.u32 s12, $0x4;
	[sflag:s7] =	ssyncset.done $0x0  }
0xe: {  	s8 =	sadd.s32 s11, s8;
	[sflag:s7] =	ssyncadd.s32 $0xFFFF8000  }
0xf: {  	[hbm4b:s8+s3] =	stream.linear.scatter [tilespmem:s6], [sflag:$0x2], $0x8000, $0x38;
	[tilespmem:$0x8100] =	vst v63  }
0x10: {  	s12 =	sor.u32 $0x100, s12;
	_ =	swait.ge [sflag:s4], $0x8000  }
0x11: {  	s13 =	sshrl.u32 s12, $0x3;
	[sflag:s4] =	ssyncset.done $0x0  }
0x12: {  	s10 =	ssub.s32 $0x2, s10;
	s9 =	sadd.s32 s9, s13;
	[sflag:s4] =	ssyncadd.s32 $0xFFFF8000  }
0x13: {  	[tilespmem:s3], [sflag:$0x2] =	stream.linear.gather [hbm4b:s9+s3], $0x100, $0x38;
	[tilespmem:$0x8100] =	vst v63  }
0x14: {  	s29 =	sshrl.u32 s10, $0x1;
	_ =	swait.ge [sflag:s4], $0x100  }
0x15: {  	s13 =	ssub.s32 s10, s29;
	[sflag:s4] =	ssyncset.done $0x0  }
0x16: {  	s31 =	smax.u32 s13, $0x1;
	[sflag:s4] =	ssyncadd.s32 $0xFFFFFF00  }
0x17: {  	[tilespmem:s6], [sflag:$0x1] =	stream.indirect.gather [hbm4b:s1+s6], $0x80, s3, s6, $0xb8;
	[tilespmem:$0x8100] =	vst v63  }
0x18: {  	p0 =	sne.s32 s31, $0x1;
	_ =	swait.ge [sflag:s7], $0x8000  }
.Ltmp0:
0x19: {  	s30 =	sshll.u32 s12, $0x4;
	[sflag:s7] =	ssyncset.done $0x0;
	(pc) =	sbr.rel @!p0 .LBB2_2-.Ltmp0, $4  }
0x1a: {  	s10 =	sadd.s32 s11, s30;
	[sflag:s7] =	ssyncadd.s32 $0xFFFF8000  }
0x1b: {  	[hbm4b:s10+s3] =	stream.linear.scatter [tilespmem:s6], [sflag:$0x2], $0x8000, $0x38;
	[tilespmem:$0x8100] =	vst v63  }
0x1c: {  	_ =	swait.ge [sflag:s4], $0x8000  }
0x1d: {  	s11 =	sadd.s32 $0xFFFFFFFF, s31;
	[sflag:s4] =	ssyncset.done $0x0  }
.LBB2_1:
0x1e: {  	p0 =	sne.s32 s11, $0x1;
	s11 =	sadd.s32 $0xFFFFFFFF, s11;
	[sflag:s4] =	ssyncadd.s32 $0xFFFF8000  }
0x1f: {  	[tilespmem:s3], [sflag:$0x2] =	stream.linear.gather [hbm4b:s5+s3], $0x100, $0x38;
	[tilespmem:$0x8100] =	vst v63  }
0x20: {  	_ =	swait.ge [sflag:s4], $0x100  }
0x21: {  	[sflag:s4] =	ssyncset.done $0x0  }
0x22: {  	[sflag:s4] =	ssyncadd.s32 $0xFFFFFF00  }
0x23: {  	[tilespmem:s6], [sflag:$0x1] =	stream.indirect.gather [hbm4b:s1+s6], $0x80, s3, s6, $0xb8;
	[tilespmem:$0x8100] =	vst v63  }
0x24: {  	_ =	swait.ge [sflag:s7], $0x8000  }
0x25: {  	[sflag:s7] =	ssyncset.done $0x0  }
0x26: {  	[sflag:s7] =	ssyncadd.s32 $0xFFFF8000  }
0x27: {  	[hbm4b:s8+s3] =	stream.linear.scatter [tilespmem:s6], [sflag:$0x2], $0x8000, $0x38;
	[tilespmem:$0x8100] =	vst v63  }
0x28: {  	_ =	swait.ge [sflag:s4], $0x8000  }
0x29: {  	[sflag:s4] =	ssyncset.done $0x0  }
0x2a: {  	[sflag:s4] =	ssyncadd.s32 $0xFFFF8000  }
0x2b: {  	[tilespmem:s3], [sflag:$0x2] =	stream.linear.gather [hbm4b:s9+s3], $0x100, $0x38;
	[tilespmem:$0x8100] =	vst v63  }
0x2c: {  	_ =	swait.ge [sflag:s4], $0x100  }
0x2d: {  	[sflag:s4] =	ssyncset.done $0x0  }
0x2e: {  	[sflag:s4] =	ssyncadd.s32 $0xFFFFFF00  }
0x2f: {  	[tilespmem:s6], [sflag:$0x1] =	stream.indirect.gather [hbm4b:s1+s6], $0x80, s3, s6, $0xb8;
	[tilespmem:$0x8100] =	vst v63  }
0x30: {  	_ =	swait.ge [sflag:s7], $0x8000  }
.Ltmp1:
0x31: {  	[sflag:s7] =	ssyncset.done $0x0;
	(pc) =	sbr.rel @p0 .LBB2_1-.Ltmp1, $4  }
0x32: {  	[sflag:s7] =	ssyncadd.s32 $0xFFFF8000  }
0x33: {  	[hbm4b:s10+s3] =	stream.linear.scatter [tilespmem:s6], [sflag:$0x2], $0x8000, $0x38;
	[tilespmem:$0x8100] =	vst v63  }
0x34: {  	_ =	swait.ge [sflag:s4], $0x8000  }
0x35: {  	[sflag:s4] =	ssyncset.done $0x0  }
.LBB2_2:
0x36: {  	[sflag:s4] =	ssyncadd.s32 $0xFFFF8000  }
0x37: {  	_ =	sfence.sel $0x180000  }
0x38: {  	[bflag:$0x0] =	sbarrier.arrive $0xFFFF  }
0x39: {  	p0 =	sne.s32 s0, $0x0;
	_ =	strace $0x90000050  }
0x3a: {  	s0 =	sadd.s32 @!p0 $0x100000, s2;
	[bflag:$0x2] =	sbarrier.arrive $0xFFFF  }
0x3b: {  	[sflag:s0] =	ssyncadd.tile.s32 @!p0 $0x1;
	_ =	shalt  }
.Lfunc_end2:
_tile_overlayer_lowered:
.L_overlay_start_2:
0x3c: {  	(tag) =	ssettag $0x2  }
0x3d: {  	s0 =	rddreg [dreg:$0x0];
	s2 =	stileid.u32  }
0x3e: {  	s1 =	rddreg [dreg:$0x1];
	p0 =	sne.s32 s2, $0x0  }
0x3f: {  	s3 =	rddreg [dreg:$0x2];
	[bflag:$0x3] =	sbarrier.arrive $0xFFFF;
	s2 =	simm.s32 @!p0 $0x1C02  }
0x40: {  	[timem:s3], [sflag:s2] =	dma.local @!p0 [hbm:s0], s1  }
0x41: {  	s0 =	simm.s32 @!p0 $0x2  }
0x42: {  	_ =	swait.ge @!p0 [sflag:s0], s1  }
0x43: {  	s1 =	ssub.s32 @!p0 $0x0, s1;
	[sflag:s0] =	ssyncset.done @!p0 $0x0  }
0x44: {  	[sflag:s0] =	ssyncadd.s32 @!p0 s1  }
0x45: {  	[bflag:$0x3] =	sbarrier.arrive $0xFFFF  }
0x46: {  	_ =	shalt  }

</sc_bundles>
